<compile_context>
chip_gen: v7x
topology: tpu7x:2x2x1
jax: 0.10.2.dev20260603
libtpu: 0.0.44.dev20260713+nightly
codegen_flags: <defaults>
</compile_context>

<pallas_src>
import functools

import numpy as np
import jax
import jax.numpy as jnp
from jax import lax
from jax.experimental import pallas as pl
from jax.experimental.pallas import tpu as pltpu
from jax.experimental.pallas import tpu_sc as plsc

_H = 112
_B = 32
_CT = 48
_EPS = 1e-08
_SEG = 28
_ROWS_PER_B = _CT * _H * 4
_NCHUNK = 16
_CHUNK = _ROWS_PER_B // _NCHUNK


def _build_cell_masks():
    g = np.zeros((16, _H, _H), dtype=np.float32)
    for i in range(16):
        hb, wb = divmod(i, 4)
        g[i, 28 * hb:28 * (hb + 1), 28 * wb:28 * (wb + 1)] = 1.0
    return g


def _build_cellmap448():
    m = np.empty((448,), dtype=np.int32)
    for lp in range(448):
        h, wband = divmod(lp, 4)
        m[lp] = (h // 28) * 4 + wband
    return m


_CELLS = _build_cell_masks()
_CELLMAP = _build_cellmap448()


def _imdiff_body(x_ref, o_ref):
    x = x_ref[0]
    vals = []
    for t in range(15):
        d = (jnp.abs(x[t] - x[t + 1]) + jnp.abs(x[16 + t] - x[17 + t])) \
            + jnp.abs(x[32 + t] - x[33 + t])
        vals.append(d)
    while len(vals) > 1:
        nxt = [vals[i] + vals[i + 1] for i in range(0, len(vals) - 1, 2)]
        if len(vals) % 2:
            nxt.append(vals[-1])
        vals = nxt
    o_ref[0] = vals[0] * np.float32(1.0 / 15.0)


def _gaussian_kernel1d(ksize, sigma):
    x = jnp.arange(ksize, dtype=jnp.float32) - (ksize // 2)
    g = jnp.exp(-(x ** 2) / (2.0 * sigma * sigma))
    return g / g.sum()


def _gauss_blur(img, ksize, sigma):
    k1 = _gaussian_kernel1d(ksize, sigma)
    k2 = jnp.outer(k1, k1)
    k2 = k2 / k2.sum()
    pad = ksize // 2
    x = jnp.pad(img, ((0, 0), (0, 0), (pad, pad), (pad, pad)), mode='reflect')
    kern = k2[None, None, :, :]
    return jax.lax.conv_general_dilated(x, kern, (1, 1), 'VALID',
                                        dimension_numbers=('NCHW', 'OIHW', 'NCHW'))


def _ni_batch(m):
    b, h, w = m.shape
    f = m.reshape(b, -1)
    f = f - f.min(axis=-1, keepdims=True)
    f = f / (f.max(axis=-1, keepdims=True) + _EPS)
    return f.reshape(b, h, w)


def _sc_route(x6, src_hbm, out, src_v, buf0, buf1, gs0, gs1, ws0, ws1):
    nc = 2
    b = lax.axis_index("s") * nc + lax.axis_index("c")
    pltpu.sync_copy(src_hbm.at[b], src_v)
    srcs = src_v[pl.ds(0, 16)]

    def do_cell(cell, buf, gsem, wsem):
        hb, wb = divmod(cell, 4)
        src = srcs[cell]
        g = pltpu.make_async_copy(x6.at[src, :, hb, :, wb, :], buf, gsem)
        g.start()
        g.wait()
        w = pltpu.make_async_copy(buf, out.at[b, :, hb, :, wb, :], wsem)
        w.start()
        return w

    for pair in range(8):
        w0 = do_cell(2 * pair, buf0, gs0, ws0)
        w1 = do_cell(2 * pair + 1, buf1, gs1, ws1)
        w0.wait()
        w1.wait()


def kernel(video_clips):
    b, c, t, h, w = video_clips.shape
    x = video_clips.reshape(b, c * t, h, w)
    grid_cells = jnp.asarray(_CELLS)

    im_diff = pl.pallas_call(
        _imdiff_body,
        grid=(b,),
        in_specs=[pl.BlockSpec((1, _CT, _H, _H), lambda i: (i, 0, 0, 0))],
        out_specs=pl.BlockSpec((1, _H, _H), lambda i: (i, 0, 0)),
        out_shape=jax.ShapeDtypeStruct((b, _H, _H), jnp.float32),
        compiler_params=pltpu.CompilerParams(
            dimension_semantics=("arbitrary",),
        ),
    )(x)

    gsize = int(0.1 * _H) // 2 * 2 + 1
    mask = _gauss_blur(im_diff.reshape(-1, 1, h, w), gsize, gsize / 3.0)
    mask = _ni_batch(mask.reshape(-1, h, w))
    activation = mask.reshape(b, -1) @ grid_cells.reshape(16, -1).T
    _, fg_index = jax.lax.top_k(activation, 8)
    sel = jax.nn.one_hot(fg_index, 16, dtype=jnp.int32).sum(axis=1)
    perm = jax.random.permutation(jax.random.key(42), b).astype(jnp.int32)
    srcb = jnp.where(sel > 0, jnp.arange(b, dtype=jnp.int32)[:, None],
                     perm[:, None])

    x6 = x.reshape(b, c * t, 4, 28, 4, 28)
    mesh = plsc.VectorSubcoreMesh(core_axis_name="c", subcore_axis_name="s")
    route = functools.partial(
        pl.kernel, mesh=mesh,
        out_type=jax.ShapeDtypeStruct((_B, _CT, 4, 28, 4, 28), jnp.float32),
        scratch_types=[
            pltpu.VMEM((16,), jnp.int32),
            pltpu.VMEM((_CT, 28, 28), jnp.float32),
            pltpu.VMEM((_CT, 28, 28), jnp.float32),
            pltpu.SemaphoreType.DMA,
            pltpu.SemaphoreType.DMA,
            pltpu.SemaphoreType.DMA,
            pltpu.SemaphoreType.DMA,
        ],
        compiler_params=pltpu.CompilerParams(use_tc_tiling_on_sc=False),
    )(_sc_route)
    out = route(x6, srcb)
    return out.reshape(b, c, t, h, w)

# --- scband reference (transcript-rebuilt; emitter-appended) ---
"""Pipeline reference for scband-foreground-aug-88605175316659 (READ-ONLY COPY).

The authoritative reference and input builder live on the scoring server;
editing this copy changes nothing except your own understanding.
"""

import jax, jax.numpy as jnp
import numpy as np

CROP = 112
EPS = 1e-08
ALPHA = 1.0


def _gaussian_kernel1d(ksize, sigma):
    x = jnp.arange(ksize, dtype=jnp.float32) - (ksize // 2)
    g = jnp.exp(-(x ** 2) / (2.0 * sigma * sigma))
    return g / g.sum()


def _gauss_blur(img, ksize, sigma):
    # img: [N, 1, H, W]; kornia GaussianBlur2d default border is reflect
    k1 = _gaussian_kernel1d(ksize, sigma)
    k2 = jnp.outer(k1, k1)
    k2 = k2 / k2.sum()
    pad = ksize // 2
    x = jnp.pad(img, ((0, 0), (0, 0), (pad, pad), (pad, pad)), mode='reflect')
    kernel = k2[None, None, :, :]  # OIHW
    return jax.lax.conv_general_dilated(x, kernel, (1, 1), 'VALID',
                                        dimension_numbers=('NCHW', 'OIHW', 'NCHW'))


def _ni_batch(m):
    B, H, W = m.shape
    f = m.reshape(B, -1)
    f = f - f.min(axis=-1, keepdims=True)
    f = f / (f.max(axis=-1, keepdims=True) + EPS)
    return f.reshape(B, H, W)


def _init_grid(crop):
    g = np.zeros((16, crop, crop), dtype=np.float32)
    for i in range(16):
        h = i // 4
        w = i % 4
        g[i, (crop // 4) * h:(crop // 4) * (h + 1), (crop // 4) * w:(crop // 4) * (w + 1)] = 1.0
    return jnp.asarray(g)


GRID = _init_grid(CROP)


def setup_inputs(seed: int = 0) -> dict:
    key = jax.random.key(seed)
    video_clips = jax.random.uniform(key, (32, 3, 16, 112, 112), dtype=jnp.float32)
    return {"video_clips": video_clips}


def reference(video_clips):
    B, C, T, H, W = video_clips.shape
    # temporal difference saliency
    im_diff = jnp.abs(video_clips[:, :, 0:-1] - video_clips[:, :, 1:]).sum(axis=1).mean(axis=1)
    gsize = int(0.1 * CROP) // 2 * 2 + 1
    mask = _gauss_blur(im_diff.reshape(-1, 1, H, W), gsize, gsize / 3.0)
    mask = _ni_batch(mask.reshape(-1, H, W))
    # getGrid: pick top-8 of 16 grid cells by activation
    activation = mask.reshape(B, -1) @ GRID.reshape(16, -1).T
    _, fg_index = jax.lax.top_k(activation, 8)
    mask = GRID[fg_index.reshape(-1)].reshape(B, 8, H, W).sum(axis=1)
    # batch mixing permutation (deterministic key in reference)
    index = jax.random.permutation(jax.random.key(42), B)
    mask5 = mask.reshape(B, 1, 1, H, W)
    video_fuse = ALPHA * video_clips[index] * (1.0 - mask5) + video_clips * (1.0 - ALPHA + ALPHA * mask5)
    return video_fuse

if __name__ == "__main__":
    import jax
    _d = setup_inputs()
    print(jax.jit(kernel)(*tuple(_d.values())))

</pallas_src>

<mosaic_0001>
#map = affine_map<(d0, d1) -> (0, 0, 0, 0, 0, 0)>
#map1 = affine_map<(d0, d1) -> (0, 0)>
module attributes {stable_mosaic.version = 14 : i64} {
  func.func @_sc_route(%arg0: i32, %arg1: i32, %arg2: memref<32x48x4x28x4x28xf32, #tpu.memory_space<hbm>>, %arg3: memref<32x16xi32, #tpu.memory_space<hbm>>, %arg4: memref<32x48x4x28x4x28xf32, #tpu.memory_space<hbm>>, %arg5: memref<16xi32, #tpu.memory_space<vmem>>, %arg6: memref<48x28x28xf32, #tpu.memory_space<vmem>>, %arg7: memref<48x28x28xf32, #tpu.memory_space<vmem>>, %arg8: memref<!tpu.dma_semaphore, #tpu.memory_space<semaphore_mem>>, %arg9: memref<!tpu.dma_semaphore, #tpu.memory_space<semaphore_mem>>, %arg10: memref<!tpu.dma_semaphore, #tpu.memory_space<semaphore_mem>>, %arg11: memref<!tpu.dma_semaphore, #tpu.memory_space<semaphore_mem>>) attributes {dimension_semantics = [#tpu.dimension_semantics<core_parallel>, #tpu.dimension_semantics<subcore_parallel>], iteration_bounds = array<i64: 2, 16>, scalar_prefetch = 0 : i64, scratch_operands = 7 : i64, tpu.core_type = #tpu.core_type<sc_vector_subcore>, window_params = [{transform_indices = #map}, {transform_indices = #map1}, {transform_indices = #map}]} {
    %mul3A = arith.constant 2 : i32
    %mul3A_0 = arith.muli %arg1, %mul3A : i32
    %add3A = arith.addi %mul3A_0, %arg0 : i32
    "tpu.region"() ({
      %run_scoped3A = tpu.sem_alloc : memref<!tpu.dma_semaphore, #tpu.memory_space<semaphore_mem>>
      %dma_start3A_799 = arith.constant 0 : i32
      %dma_start3A_800 = tpu.memref_slice %arg3[%add3A, %dma_start3A_799] : memref<32x16xi32, #tpu.memory_space<hbm>> -> memref<1x16xi32, #tpu.memory_space<hbm>>
      %dma_start3A_801 = tpu.memref_squeeze %dma_start3A_800 : memref<1x16xi32, #tpu.memory_space<hbm>> -> memref<16xi32, #tpu.memory_space<hbm>>
      %dma_start3A_802 = arith.constant 0 : i32
      %dma_start3A_803 = tpu.memref_slice %arg3[%add3A, %dma_start3A_802] : memref<32x16xi32, #tpu.memory_space<hbm>> -> memref<1x16xi32, #tpu.memory_space<hbm>>
      %dma_start3A_804 = tpu.memref_squeeze %dma_start3A_803 : memref<1x16xi32, #tpu.memory_space<hbm>> -> memref<16xi32, #tpu.memory_space<hbm>>
      tpu.enqueue_dma source(%dma_start3A_804 : memref<16xi32, #tpu.memory_space<hbm>>) target(%arg5 : memref<16xi32, #tpu.memory_space<vmem>>) target_semaphore(%run_scoped3A : memref<!tpu.dma_semaphore, #tpu.memory_space<semaphore_mem>>)
      %dma_wait3A_805 = arith.constant 0 : i32
      %dma_wait3A_806 = tpu.memref_slice %arg3[%add3A, %dma_wait3A_805] : memref<32x16xi32, #tpu.memory_space<hbm>> -> memref<1x16xi32, #tpu.memory_space<hbm>>
      %dma_wait3A_807 = tpu.memref_squeeze %dma_wait3A_806 : memref<1x16xi32, #tpu.memory_space<hbm>> -> memref<16xi32, #tpu.memory_space<hbm>>
      %dma_wait3A_808 = arith.constant 0 : i32
      %dma_wait3A_809 = tpu.memref_slice %arg3[%add3A, %dma_wait3A_808] : memref<32x16xi32, #tpu.memory_space<hbm>> -> memref<1x16xi32, #tpu.memory_space<hbm>>
      %dma_wait3A_810 = tpu.memref_squeeze %dma_wait3A_809 : memref<1x16xi32, #tpu.memory_space<hbm>> -> memref<16xi32, #tpu.memory_space<hbm>>
      tpu.wait_dma2 semaphore(%run_scoped3A : memref<!tpu.dma_semaphore, #tpu.memory_space<semaphore_mem>>) src(%dma_wait3A_810 : memref<16xi32, #tpu.memory_space<hbm>>) dst(%arg5 : memref<16xi32, #tpu.memory_space<vmem>>)
      tpu.yield
    }) : () -> ()
    %get3A = arith.constant 0 : index
    %get3A_1 = tpu.vector_load %arg5[%get3A] {strides = array<i32>} : memref<16xi32, #tpu.memory_space<vmem>>, vector<16xi32>,
    %get3A_2 = vector.shape_cast %get3A_1 : vector<16xi32> to vector<16xi32>
    %slice3A = vector.extract_strided_slice %get3A_2 {offsets = [0], sizes = [1], strides = [1]} : vector<16xi32> to vector<1xi32>
    %squeeze3A = vector.extract %slice3A[0] : i32 from vector<1xi32>
    %dma_start3A = arith.constant 0 : i32
    %dma_start3A_3 = arith.constant 0 : i32
    %dma_start3A_4 = arith.constant 0 : i32
    %dma_start3A_5 = arith.constant 0 : i32
    %dma_start3A_6 = arith.constant 0 : i32
    %dma_start3A_7 = tpu.memref_slice %arg2[%squeeze3A, %dma_start3A_4, %dma_start3A, %dma_start3A_5, %dma_start3A_3, %dma_start3A_6] : memref<32x48x4x28x4x28xf32, #tpu.memory_space<hbm>> -> memref<1x48x1x28x1x28xf32, #tpu.memory_space<hbm>>
    %dma_start3A_8 = tpu.memref_squeeze %dma_start3A_7 : memref<1x48x1x28x1x28xf32, #tpu.memory_space<hbm>> -> memref<48x28x28xf32, #tpu.memory_space<hbm>>
    %dma_start3A_9 = arith.constant 0 : i32
    %dma_start3A_10 = arith.constant 0 : i32
    %dma_start3A_11 = arith.constant 0 : i32
    %dma_start3A_12 = tpu.memref_slice %arg2[%squeeze3A, %dma_start3A_9, %dma_start3A, %dma_start3A_10, %dma_start3A_3, %dma_start3A_11] : memref<32x48x4x28x4x28xf32, #tpu.memory_space<hbm>> -> memref<1x48x1x28x1x28xf32, #tpu.memory_space<hbm>>
    %dma_start3A_13 = tpu.memref_squeeze %dma_start3A_12 : memref<1x48x1x28x1x28xf32, #tpu.memory_space<hbm>> -> memref<48x28x28xf32, #tpu.memory_space<hbm>>
    tpu.enqueue_dma source(%dma_start3A_13 : memref<48x28x28xf32, #tpu.memory_space<hbm>>) target(%arg6 : memref<48x28x28xf32, #tpu.memory_space<vmem>>) target_semaphore(%arg8 : memref<!tpu.dma_semaphore, #tpu.memory_space<semaphore_mem>>)
    %dma_wait3A = arith.constant 0 : i32
    %dma_wait3A_14 = arith.constant 0 : i32
    %dma_wait3A_15 = arith.constant 0 : i32
    %dma_wait3A_16 = arith.constant 0 : i32
    %dma_wait3A_17 = arith.constant 0 : i32
    %dma_wait3A_18 = tpu.memref_slice %arg2[%squeeze3A, %dma_wait3A_15, %dma_wait3A, %dma_wait3A_16, %dma_wait3A_14, %dma_wait3A_17] : memref<32x48x4x28x4x28xf32, #tpu.memory_space<hbm>> -> memref<1x48x1x28x1x28xf32, #tpu.memory_space<hbm>>
    %dma_wait3A_19 = tpu.memref_squeeze %dma_wait3A_18 : memref<1x48x1x28x1x28xf32, #tpu.memory_space<hbm>> -> memref<48x28x28xf32, #tpu.memory_space<hbm>>
    %dma_wait3A_20 = arith.constant 0 : i32
    %dma_wait3A_21 = arith.constant 0 : i32
    %dma_wait3A_22 = arith.constant 0 : i32
    %dma_wait3A_23 = tpu.memref_slice %arg2[%squeeze3A, %dma_wait3A_20, %dma_wait3A, %dma_wait3A_21, %dma_wait3A_14, %dma_wait3A_22] : memref<32x48x4x28x4x28xf32, #tpu.memory_space<hbm>> -> memref<1x48x1x28x1x28xf32, #tpu.memory_space<hbm>>
    %dma_wait3A_24 = tpu.memref_squeeze %dma_wait3A_23 : memref<1x48x1x28x1x28xf32, #tpu.memory_space<hbm>> -> memref<48x28x28xf32, #tpu.memory_space<hbm>>
    tpu.wait_dma2 semaphore(%arg8 : memref<!tpu.dma_semaphore, #tpu.memory_space<semaphore_mem>>) src(%dma_wait3A_24 : memref<48x28x28xf32, #tpu.memory_space<hbm>>) dst(%arg6 : memref<48x28x28xf32, #tpu.memory_space<vmem>>)
    %dma_start3A_25 = arith.constant 0 : i32
    %dma_start3A_26 = arith.constant 0 : i32
    %dma_start3A_27 = arith.constant 0 : i32
    %dma_start3A_28 = arith.constant 0 : i32
    %dma_start3A_29 = arith.constant 0 : i32
    %dma_start3A_30 = tpu.memref_slice %arg4[%add3A, %dma_start3A_27, %dma_start3A_25, %dma_start3A_28, %dma_start3A_26, %dma_start3A_29] : memref<32x48x4x28x4x28xf32, #tpu.memory_space<hbm>> -> memref<1x48x1x28x1x28xf32, #tpu.memory_space<hbm>>
    %dma_start3A_31 = tpu.memref_squeeze %dma_start3A_30 : memref<1x48x1x28x1x28xf32, #tpu.memory_space<hbm>> -> memref<48x28x28xf32, #tpu.memory_space<hbm>>
    %dma_start3A_32 = arith.constant 0 : i32
    %dma_start3A_33 = arith.constant 0 : i32
    %dma_start3A_34 = arith.constant 0 : i32
    %dma_start3A_35 = tpu.memref_slice %arg4[%add3A, %dma_start3A_32, %dma_start3A_25, %dma_start3A_33, %dma_start3A_26, %dma_start3A_34] : memref<32x48x4x28x4x28xf32, #tpu.memory_space<hbm>> -> memref<1x48x1x28x1x28xf32, #tpu.memory_space<hbm>>
    %dma_start3A_36 = tpu.memref_squeeze %dma_start3A_35 : memref<1x48x1x28x1x28xf32, #tpu.memory_space<hbm>> -> memref<48x28x28xf32, #tpu.memory_space<hbm>>
    tpu.enqueue_dma source(%arg6 : memref<48x28x28xf32, #tpu.memory_space<vmem>>) target(%dma_start3A_36 : memref<48x28x28xf32, #tpu.memory_space<hbm>>) target_semaphore(%arg10 : memref<!tpu.dma_semaphore, #tpu.memory_space<semaphore_mem>>)
    %slice3A_37 = vector.extract_strided_slice %get3A_2 {offsets = [1], sizes = [1], strides = [1]} : vector<16xi32> to vector<1xi32>
    %squeeze3A_38 = vector.extract %slice3A_37[0] : i32 from vector<1xi32>
    %dma_start3A_39 = arith.constant 0 : i32
    %dma_start3A_40 = arith.constant 1 : i32
    %dma_start3A_41 = arith.constant 0 : i32
    %dma_start3A_42 = arith.constant 0 : i32
    %dma_start3A_43 = arith.constant 0 : i32
    %dma_start3A_44 = tpu.memref_slice %arg2[%squeeze3A_38, %dma_start3A_41, %dma_start3A_39, %dma_start3A_42, %dma_start3A_40, %dma_start3A_43] : memref<32x48x4x28x4x28xf32, #tpu.memory_space<hbm>> -> memref<1x48x1x28x1x28xf32, #tpu.memory_space<hbm>>
    %dma_start3A_45 = tpu.memref_squeeze %dma_start3A_44 : memref<1x48x1x28x1x28xf32, #tpu.memory_space<hbm>> -> memref<48x28x28xf32, #tpu.memory_space<hbm>>
    %dma_start3A_46 = arith.constant 0 : i32
    %dma_start3A_47 = arith.constant 0 : i32
    %dma_start3A_48 = arith.constant 0 : i32
    %dma_start3A_49 = tpu.memref_slice %arg2[%squeeze3A_38, %dma_start3A_46, %dma_start3A_39, %dma_start3A_47, %dma_start3A_40, %dma_start3A_48] : memref<32x48x4x28x4x28xf32, #tpu.memory_space<hbm>> -> memref<1x48x1x28x1x28xf32, #tpu.memory_space<hbm>>
    %dma_start3A_50 = tpu.memref_squeeze %dma_start3A_49 : memref<1x48x1x28x1x28xf32, #tpu.memory_space<hbm>> -> memref<48x28x28xf32, #tpu.memory_space<hbm>>
    tpu.enqueue_dma source(%dma_start3A_50 : memref<48x28x28xf32, #tpu.memory_space<hbm>>) target(%arg7 : memref<48x28x28xf32, #tpu.memory_space<vmem>>) target_semaphore(%arg9 : memref<!tpu.dma_semaphore, #tpu.memory_space<semaphore_mem>>)
    %dma_wait3A_51 = arith.constant 0 : i32
    %dma_wait3A_52 = arith.constant 1 : i32
    %dma_wait3A_53 = arith.constant 0 : i32
    %dma_wait3A_54 = arith.constant 0 : i32
    %dma_wait3A_55 = arith.constant 0 : i32
    %dma_wait3A_56 = tpu.memref_slice %arg2[%squeeze3A_38, %dma_wait3A_53, %dma_wait3A_51, %dma_wait3A_54, %dma_wait3A_52, %dma_wait3A_55] : memref<32x48x4x28x4x28xf32, #tpu.memory_space<hbm>> -> memref<1x48x1x28x1x28xf32, #tpu.memory_space<hbm>>
    %dma_wait3A_57 = tpu.memref_squeeze %dma_wait3A_56 : memref<1x48x1x28x1x28xf32, #tpu.memory_space<hbm>> -> memref<48x28x28xf32, #tpu.memory_space<hbm>>
    %dma_wait3A_58 = arith.constant 0 : i32
    %dma_wait3A_59 = arith.constant 0 : i32
    %dma_wait3A_60 = arith.constant 0 : i32
    %dma_wait3A_61 = tpu.memref_slice %arg2[%squeeze3A_38, %dma_wait3A_58, %dma_wait3A_51, %dma_wait3A_59, %dma_wait3A_52, %dma_wait3A_60] : memref<32x48x4x28x4x28xf32, #tpu.memory_space<hbm>> -> memref<1x48x1x28x1x28xf32, #tpu.memory_space<hbm>>
    %dma_wait3A_62 = tpu.memref_squeeze %dma_wait3A_61 : memref<1x48x1x28x1x28xf32, #tpu.memory_space<hbm>> -> memref<48x28x28xf32, #tpu.memory_space<hbm>>
    tpu.wait_dma2 semaphore(%arg9 : memref<!tpu.dma_semaphore, #tpu.memory_space<semaphore_mem>>) src(%dma_wait3A_62 : memref<48x28x28xf32, #tpu.memory_space<hbm>>) dst(%arg7 : memref<48x28x28xf32, #tpu.memory_space<vmem>>)
    %dma_start3A_63 = arith.constant 0 : i32
    %dma_start3A_64 = arith.constant 1 : i32
    %dma_start3A_65 = arith.constant 0 : i32
    %dma_start3A_66 = arith.constant 0 : i32
    %dma_start3A_67 = arith.constant 0 : i32
    %dma_start3A_68 = tpu.memref_slice %arg4[%add3A, %dma_start3A_65, %dma_start3A_63, %dma_start3A_66, %dma_start3A_64, %dma_start3A_67] : memref<32x48x4x28x4x28xf32, #tpu.memory_space<hbm>> -> memref<1x48x1x28x1x28xf32, #tpu.memory_space<hbm>>
    %dma_start3A_69 = tpu.memref_squeeze %dma_start3A_68 : memref<1x48x1x28x1x28xf32, #tpu.memory_space<hbm>> -> memref<48x28x28xf32, #tpu.memory_space<hbm>>
    %dma_start3A_70 = arith.constant 0 : i32
    %dma_start3A_71 = arith.constant 0 : i32
    %dma_start3A_72 = arith.constant 0 : i32
    %dma_start3A_73 = tpu.memref_slice %arg4[%add3A, %dma_start3A_70, %dma_start3A_63, %dma_start3A_71, %dma_start3A_64, %dma_start3A_72] : memref<32x48x4x28x4x28xf32, #tpu.memory_space<hbm>> -> memref<1x48x1x28x1x28xf32, #tpu.memory_space<hbm>>
    %dma_start3A_74 = tpu.memref_squeeze %dma_start3A_73 : memref<1x48x1x28x1x28xf32, #tpu.memory_space<hbm>> -> memref<48x28x28xf32, #tpu.memory_space<hbm>>
    tpu.enqueue_dma source(%arg7 : memref<48x28x28xf32, #tpu.memory_space<vmem>>) target(%dma_start3A_74 : memref<48x28x28xf32, #tpu.memory_space<hbm>>) target_semaphore(%arg11 : memref<!tpu.dma_semaphore, #tpu.memory_space<semaphore_mem>>)
    %dma_wait3A_75 = arith.constant 0 : i32
    %dma_wait3A_76 = arith.constant 0 : i32
    %dma_wait3A_77 = arith.constant 0 : i32
    %dma_wait3A_78 = arith.constant 0 : i32
    %dma_wait3A_79 = arith.constant 0 : i32
    %dma_wait3A_80 = tpu.memref_slice %arg4[%add3A, %dma_wait3A_77, %dma_wait3A_75, %dma_wait3A_78, %dma_wait3A_76, %dma_wait3A_79] : memref<32x48x4x28x4x28xf32, #tpu.memory_space<hbm>> -> memref<1x48x1x28x1x28xf32, #tpu.memory_space<hbm>>
    %dma_wait3A_81 = tpu.memref_squeeze %dma_wait3A_80 : memref<1x48x1x28x1x28xf32, #tpu.memory_space<hbm>> -> memref<48x28x28xf32, #tpu.memory_space<hbm>>
    %dma_wait3A_82 = arith.constant 0 : i32
    %dma_wait3A_83 = arith.constant 0 : i32
    %dma_wait3A_84 = arith.constant 0 : i32
    %dma_wait3A_85 = tpu.memref_slice %arg4[%add3A, %dma_wait3A_82, %dma_wait3A_75, %dma_wait3A_83, %dma_wait3A_76, %dma_wait3A_84] : memref<32x48x4x28x4x28xf32, #tpu.memory_space<hbm>> -> memref<1x48x1x28x1x28xf32, #tpu.memory_space<hbm>>
    %dma_wait3A_86 = tpu.memref_squeeze %dma_wait3A_85 : memref<1x48x1x28x1x28xf32, #tpu.memory_space<hbm>> -> memref<48x28x28xf32, #tpu.memory_space<hbm>>
    tpu.wait_dma2 semaphore(%arg10 : memref<!tpu.dma_semaphore, #tpu.memory_space<semaphore_mem>>) src(%arg6 : memref<48x28x28xf32, #tpu.memory_space<vmem>>) dst(%dma_wait3A_86 : memref<48x28x28xf32, #tpu.memory_space<hbm>>)
    %dma_wait3A_87 = arith.constant 0 : i32
    %dma_wait3A_88 = arith.constant 1 : i32
    %dma_wait3A_89 = arith.constant 0 : i32
    %dma_wait3A_90 = arith.constant 0 : i32
    %dma_wait3A_91 = arith.constant 0 : i32
    %dma_wait3A_92 = tpu.memref_slice %arg4[%add3A, %dma_wait3A_89, %dma_wait3A_87, %dma_wait3A_90, %dma_wait3A_88, %dma_wait3A_91] : memref<32x48x4x28x4x28xf32, #tpu.memory_space<hbm>> -> memref<1x48x1x28x1x28xf32, #tpu.memory_space<hbm>>
    %dma_wait3A_93 = tpu.memref_squeeze %dma_wait3A_92 : memref<1x48x1x28x1x28xf32, #tpu.memory_space<hbm>> -> memref<48x28x28xf32, #tpu.memory_space<hbm>>
    %dma_wait3A_94 = arith.constant 0 : i32
    %dma_wait3A_95 = arith.constant 0 : i32
    %dma_wait3A_96 = arith.constant 0 : i32
    %dma_wait3A_97 = tpu.memref_slice %arg4[%add3A, %dma_wait3A_94, %dma_wait3A_87, %dma_wait3A_95, %dma_wait3A_88, %dma_wait3A_96] : memref<32x48x4x28x4x28xf32, #tpu.memory_space<hbm>> -> memref<1x48x1x28x1x28xf32, #tpu.memory_space<hbm>>
    %dma_wait3A_98 = tpu.memref_squeeze %dma_wait3A_97 : memref<1x48x1x28x1x28xf32, #tpu.memory_space<hbm>> -> memref<48x28x28xf32, #tpu.memory_space<hbm>>
    tpu.wait_dma2 semaphore(%arg11 : memref<!tpu.dma_semaphore, #tpu.memory_space<semaphore_mem>>) src(%arg7 : memref<48x28x28xf32, #tpu.memory_space<vmem>>) dst(%dma_wait3A_98 : memref<48x28x28xf32, #tpu.memory_space<hbm>>)
    %slice3A_99 = vector.extract_strided_slice %get3A_2 {offsets = [2], sizes = [1], strides = [1]} : vector<16xi32> to vector<1xi32>
    %squeeze3A_100 = vector.extract %slice3A_99[0] : i32 from vector<1xi32>
    %dma_start3A_101 = arith.constant 0 : i32
    %dma_start3A_102 = arith.constant 2 : i32
    %dma_start3A_103 = arith.constant 0 : i32
    %dma_start3A_104 = arith.constant 0 : i32
    %dma_start3A_105 = arith.constant 0 : i32
    %dma_start3A_106 = tpu.memref_slice %arg2[%squeeze3A_100, %dma_start3A_103, %dma_start3A_101, %dma_start3A_104, %dma_start3A_102, %dma_start3A_105] : memref<32x48x4x28x4x28xf32, #tpu.memory_space<hbm>> -> memref<1x48x1x28x1x28xf32, #tpu.memory_space<hbm>>
    %dma_start3A_107 = tpu.memref_squeeze %dma_start3A_106 : memref<1x48x1x28x1x28xf32, #tpu.memory_space<hbm>> -> memref<48x28x28xf32, #tpu.memory_space<hbm>>
    %dma_start3A_108 = arith.constant 0 : i32
    %dma_start3A_109 = arith.constant 0 : i32
    %dma_start3A_110 = arith.constant 0 : i32
    %dma_start3A_111 = tpu.memref_slice %arg2[%squeeze3A_100, %dma_start3A_108, %dma_start3A_101, %dma_start3A_109, %dma_start3A_102, %dma_start3A_110] : memref<32x48x4x28x4x28xf32, #tpu.memory_space<hbm>> -> memref<1x48x1x28x1x28xf32, #tpu.memory_space<hbm>>
    %dma_start3A_112 = tpu.memref_squeeze %dma_start3A_111 : memref<1x48x1x28x1x28xf32, #tpu.memory_space<hbm>> -> memref<48x28x28xf32, #tpu.memory_space<hbm>>
    tpu.enqueue_dma source(%dma_start3A_112 : memref<48x28x28xf32, #tpu.memory_space<hbm>>) target(%arg6 : memref<48x28x28xf32, #tpu.memory_space<vmem>>) target_semaphore(%arg8 : memref<!tpu.dma_semaphore, #tpu.memory_space<semaphore_mem>>)
    %dma_wait3A_113 = arith.constant 0 : i32
    %dma_wait3A_114 = arith.constant 2 : i32
    %dma_wait3A_115 = arith.constant 0 : i32
    %dma_wait3A_116 = arith.constant 0 : i32
    %dma_wait3A_117 = arith.constant 0 : i32
    %dma_wait3A_118 = tpu.memref_slice %arg2[%squeeze3A_100, %dma_wait3A_115, %dma_wait3A_113, %dma_wait3A_116, %dma_wait3A_114, %dma_wait3A_117] : memref<32x48x4x28x4x28xf32, #tpu.memory_space<hbm>> -> memref<1x48x1x28x1x28xf32, #tpu.memory_space<hbm>>
    %dma_wait3A_119 = tpu.memref_squeeze %dma_wait3A_118 : memref<1x48x1x28x1x28xf32, #tpu.memory_space<hbm>> -> memref<48x28x28xf32, #tpu.memory_space<hbm>>
    %dma_wait3A_120 = arith.constant 0 : i32
    %dma_wait3A_121 = arith.constant 0 : i32
    %dma_wait3A_122 = arith.constant 0 : i32
    %dma_wait3A_123 = tpu.memref_slice %arg2[%squeeze3A_100, %dma_wait3A_120, %dma_wait3A_113, %dma_wait3A_121, %dma_wait3A_114, %dma_wait3A_122] : memref<32x48x4x28x4x28xf32, #tpu.memory_space<hbm>> -> memref<1x48x1x28x1x28xf32, #tpu.memory_space<hbm>>
    %dma_wait3A_124 = tpu.memref_squeeze %dma_wait3A_123 : memref<1x48x1x28x1x28xf32, #tpu.memory_space<hbm>> -> memref<48x28x28xf32, #tpu.memory_space<hbm>>
    tpu.wait_dma2 semaphore(%arg8 : memref<!tpu.dma_semaphore, #tpu.memory_space<semaphore_mem>>) src(%dma_wait3A_124 : memref<48x28x28xf32, #tpu.memory_space<hbm>>) dst(%arg6 : memref<48x28x28xf32, #tpu.memory_space<vmem>>)
    %dma_start3A_125 = arith.constant 0 : i32
    %dma_start3A_126 = arith.constant 2 : i32
    %dma_start3A_127 = arith.constant 0 : i32
    %dma_start3A_128 = arith.constant 0 : i32
    %dma_start3A_129 = arith.constant 0 : i32
    %dma_start3A_130 = tpu.memref_slice %arg4[%add3A, %dma_start3A_127, %dma_start3A_125, %dma_start3A_128, %dma_start3A_126, %dma_start3A_129] : memref<32x48x4x28x4x28xf32, #tpu.memory_space<hbm>> -> memref<1x48x1x28x1x28xf32, #tpu.memory_space<hbm>>
    %dma_start3A_131 = tpu.memref_squeeze %dma_start3A_130 : memref<1x48x1x28x1x28xf32, #tpu.memory_space<hbm>> -> memref<48x28x28xf32, #tpu.memory_space<hbm>>
    %dma_start3A_132 = arith.constant 0 : i32
    %dma_start3A_133 = arith.constant 0 : i32
    %dma_start3A_134 = arith.constant 0 : i32
    %dma_start3A_135 = tpu.memref_slice %arg4[%add3A, %dma_start3A_132, %dma_start3A_125, %dma_start3A_133, %dma_start3A_126, %dma_start3A_134] : memref<32x48x4x28x4x28xf32, #tpu.memory_space<hbm>> -> memref<1x48x1x28x1x28xf32, #tpu.memory_space<hbm>>
    %dma_start3A_136 = tpu.memref_squeeze %dma_start3A_135 : memref<1x48x1x28x1x28xf32, #tpu.memory_space<hbm>> -> memref<48x28x28xf32, #tpu.memory_space<hbm>>
    tpu.enqueue_dma source(%arg6 : memref<48x28x28xf32, #tpu.memory_space<vmem>>) target(%dma_start3A_136 : memref<48x28x28xf32, #tpu.memory_space<hbm>>) target_semaphore(%arg10 : memref<!tpu.dma_semaphore, #tpu.memory_space<semaphore_mem>>)
    %slice3A_137 = vector.extract_strided_slice %get3A_2 {offsets = [3], sizes = [1], strides = [1]} : vector<16xi32> to vector<1xi32>
    %squeeze3A_138 = vector.extract %slice3A_137[0] : i32 from vector<1xi32>
    %dma_start3A_139 = arith.constant 0 : i32
    %dma_start3A_140 = arith.constant 3 : i32
    %dma_start3A_141 = arith.constant 0 : i32
    %dma_start3A_142 = arith.constant 0 : i32
    %dma_start3A_143 = arith.constant 0 : i32
    %dma_start3A_144 = tpu.memref_slice %arg2[%squeeze3A_138, %dma_start3A_141, %dma_start3A_139, %dma_start3A_142, %dma_start3A_140, %dma_start3A_143] : memref<32x48x4x28x4x28xf32, #tpu.memory_space<hbm>> -> memref<1x48x1x28x1x28xf32, #tpu.memory_space<hbm>>
    %dma_start3A_145 = tpu.memref_squeeze %dma_start3A_144 : memref<1x48x1x28x1x28xf32, #tpu.memory_space<hbm>> -> memref<48x28x28xf32, #tpu.memory_space<hbm>>
    %dma_start3A_146 = arith.constant 0 : i32
    %dma_start3A_147 = arith.constant 0 : i32
    %dma_start3A_148 = arith.constant 0 : i32
    %dma_start3A_149 = tpu.memref_slice %arg2[%squeeze3A_138, %dma_start3A_146, %dma_start3A_139, %dma_start3A_147, %dma_start3A_140, %dma_start3A_148] : memref<32x48x4x28x4x28xf32, #tpu.memory_space<hbm>> -> memref<1x48x1x28x1x28xf32, #tpu.memory_space<hbm>>
    %dma_start3A_150 = tpu.memref_squeeze %dma_start3A_149 : memref<1x48x1x28x1x28xf32, #tpu.memory_space<hbm>> -> memref<48x28x28xf32, #tpu.memory_space<hbm>>
    tpu.enqueue_dma source(%dma_start3A_150 : memref<48x28x28xf32, #tpu.memory_space<hbm>>) target(%arg7 : memref<48x28x28xf32, #tpu.memory_space<vmem>>) target_semaphore(%arg9 : memref<!tpu.dma_semaphore, #tpu.memory_space<semaphore_mem>>)
    %dma_wait3A_151 = arith.constant 0 : i32
    %dma_wait3A_152 = arith.constant 3 : i32
    %dma_wait3A_153 = arith.constant 0 : i32
    %dma_wait3A_154 = arith.constant 0 : i32
    %dma_wait3A_155 = arith.constant 0 : i32
    %dma_wait3A_156 = tpu.memref_slice %arg2[%squeeze3A_138, %dma_wait3A_153, %dma_wait3A_151, %dma_wait3A_154, %dma_wait3A_152, %dma_wait3A_155] : memref<32x48x4x28x4x28xf32, #tpu.memory_space<hbm>> -> memref<1x48x1x28x1x28xf32, #tpu.memory_space<hbm>>
    %dma_wait3A_157 = tpu.memref_squeeze %dma_wait3A_156 : memref<1x48x1x28x1x28xf32, #tpu.memory_space<hbm>> -> memref<48x28x28xf32, #tpu.memory_space<hbm>>
    %dma_wait3A_158 = arith.constant 0 : i32
    %dma_wait3A_159 = arith.constant 0 : i32
    %dma_wait3A_160 = arith.constant 0 : i32
    %dma_wait3A_161 = tpu.memref_slice %arg2[%squeeze3A_138, %dma_wait3A_158, %dma_wait3A_151, %dma_wait3A_159, %dma_wait3A_152, %dma_wait3A_160] : memref<32x48x4x28x4x28xf32, #tpu.memory_space<hbm>> -> memref<1x48x1x28x1x28xf32, #tpu.memory_space<hbm>>
    %dma_wait3A_162 = tpu.memref_squeeze %dma_wait3A_161 : memref<1x48x1x28x1x28xf32, #tpu.memory_space<hbm>> -> memref<48x28x28xf32, #tpu.memory_space<hbm>>
    tpu.wait_dma2 semaphore(%arg9 : memref<!tpu.dma_semaphore, #tpu.memory_space<semaphore_mem>>) src(%dma_wait3A_162 : memref<48x28x28xf32, #tpu.memory_space<hbm>>) dst(%arg7 : memref<48x28x28xf32, #tpu.memory_space<vmem>>)
    %dma_start3A_163 = arith.constant 0 : i32
    %dma_start3A_164 = arith.constant 3 : i32
    %dma_start3A_165 = arith.constant 0 : i32
    %dma_start3A_166 = arith.constant 0 : i32
    %dma_start3A_167 = arith.constant 0 : i32
    %dma_start3A_168 = tpu.memref_slice %arg4[%add3A, %dma_start3A_165, %dma_start3A_163, %dma_start3A_166, %dma_start3A_164, %dma_start3A_167] : memref<32x48x4x28x4x28xf32, #tpu.memory_space<hbm>> -> memref<1x48x1x28x1x28xf32, #tpu.memory_space<hbm>>
    %dma_start3A_169 = tpu.memref_squeeze %dma_start3A_168 : memref<1x48x1x28x1x28xf32, #tpu.memory_space<hbm>> -> memref<48x28x28xf32, #tpu.memory_space<hbm>>
    %dma_start3A_170 = arith.constant 0 : i32
    %dma_start3A_171 = arith.constant 0 : i32
    %dma_start3A_172 = arith.constant 0 : i32
    %dma_start3A_173 = tpu.memref_slice %arg4[%add3A, %dma_start3A_170, %dma_start3A_163, %dma_start3A_171, %dma_start3A_164, %dma_start3A_172] : memref<32x48x4x28x4x28xf32, #tpu.memory_space<hbm>> -> memref<1x48x1x28x1x28xf32, #tpu.memory_space<hbm>>
    %dma_start3A_174 = tpu.memref_squeeze %dma_start3A_173 : memref<1x48x1x28x1x28xf32, #tpu.memory_space<hbm>> -> memref<48x28x28xf32, #tpu.memory_space<hbm>>
    tpu.enqueue_dma source(%arg7 : memref<48x28x28xf32, #tpu.memory_space<vmem>>) target(%dma_start3A_174 : memref<48x28x28xf32, #tpu.memory_space<hbm>>) target_semaphore(%arg11 : memref<!tpu.dma_semaphore, #tpu.memory_space<semaphore_mem>>)
    %dma_wait3A_175 = arith.constant 0 : i32
    %dma_wait3A_176 = arith.constant 2 : i32
    %dma_wait3A_177 = arith.constant 0 : i32
    %dma_wait3A_178 = arith.constant 0 : i32
    %dma_wait3A_179 = arith.constant 0 : i32
    %dma_wait3A_180 = tpu.memref_slice %arg4[%add3A, %dma_wait3A_177, %dma_wait3A_175, %dma_wait3A_178, %dma_wait3A_176, %dma_wait3A_179] : memref<32x48x4x28x4x28xf32, #tpu.memory_space<hbm>> -> memref<1x48x1x28x1x28xf32, #tpu.memory_space<hbm>>
    %dma_wait3A_181 = tpu.memref_squeeze %dma_wait3A_180 : memref<1x48x1x28x1x28xf32, #tpu.memory_space<hbm>> -> memref<48x28x28xf32, #tpu.memory_space<hbm>>
    %dma_wait3A_182 = arith.constant 0 : i32
    %dma_wait3A_183 = arith.constant 0 : i32
    %dma_wait3A_184 = arith.constant 0 : i32
    %dma_wait3A_185 = tpu.memref_slice %arg4[%add3A, %dma_wait3A_182, %dma_wait3A_175, %dma_wait3A_183, %dma_wait3A_176, %dma_wait3A_184] : memref<32x48x4x28x4x28xf32, #tpu.memory_space<hbm>> -> memref<1x48x1x28x1x28xf32, #tpu.memory_space<hbm>>
    %dma_wait3A_186 = tpu.memref_squeeze %dma_wait3A_185 : memref<1x48x1x28x1x28xf32, #tpu.memory_space<hbm>> -> memref<48x28x28xf32, #tpu.memory_space<hbm>>
    tpu.wait_dma2 semaphore(%arg10 : memref<!tpu.dma_semaphore, #tpu.memory_space<semaphore_mem>>) src(%arg6 : memref<48x28x28xf32, #tpu.memory_space<vmem>>) dst(%dma_wait3A_186 : memref<48x28x28xf32, #tpu.memory_space<hbm>>)
    %dma_wait3A_187 = arith.constant 0 : i32
    %dma_wait3A_188 = arith.constant 3 : i32
    %dma_wait3A_189 = arith.constant 0 : i32
    %dma_wait3A_190 = arith.constant 0 : i32
    %dma_wait3A_191 = arith.constant 0 : i32
    %dma_wait3A_192 = tpu.memref_slice %arg4[%add3A, %dma_wait3A_189, %dma_wait3A_187, %dma_wait3A_190, %dma_wait3A_188, %dma_wait3A_191] : memref<32x48x4x28x4x28xf32, #tpu.memory_space<hbm>> -> memref<1x48x1x28x1x28xf32, #tpu.memory_space<hbm>>
    %dma_wait3A_193 = tpu.memref_squeeze %dma_wait3A_192 : memref<1x48x1x28x1x28xf32, #tpu.memory_space<hbm>> -> memref<48x28x28xf32, #tpu.memory_space<hbm>>
    %dma_wait3A_194 = arith.constant 0 : i32
    %dma_wait3A_195 = arith.constant 0 : i32
    %dma_wait3A_196 = arith.constant 0 : i32
    %dma_wait3A_197 = tpu.memref_slice %arg4[%add3A, %dma_wait3A_194, %dma_wait3A_187, %dma_wait3A_195, %dma_wait3A_188, %dma_wait3A_196] : memref<32x48x4x28x4x28xf32, #tpu.memory_space<hbm>> -> memref<1x48x1x28x1x28xf32, #tpu.memory_space<hbm>>
    %dma_wait3A_198 = tpu.memref_squeeze %dma_wait3A_197 : memref<1x48x1x28x1x28xf32, #tpu.memory_space<hbm>> -> memref<48x28x28xf32, #tpu.memory_space<hbm>>
    tpu.wait_dma2 semaphore(%arg11 : memref<!tpu.dma_semaphore, #tpu.memory_space<semaphore_mem>>) src(%arg7 : memref<48x28x28xf32, #tpu.memory_space<vmem>>) dst(%dma_wait3A_198 : memref<48x28x28xf32, #tpu.memory_space<hbm>>)
    %slice3A_199 = vector.extract_strided_slice %get3A_2 {offsets = [4], sizes = [1], strides = [1]} : vector<16xi32> to vector<1xi32>
    %squeeze3A_200 = vector.extract %slice3A_199[0] : i32 from vector<1xi32>
    %dma_start3A_201 = arith.constant 1 : i32
    %dma_start3A_202 = arith.constant 0 : i32
    %dma_start3A_203 = arith.constant 0 : i32
    %dma_start3A_204 = arith.constant 0 : i32
    %dma_start3A_205 = arith.constant 0 : i32
    %dma_start3A_206 = tpu.memref_slice %arg2[%squeeze3A_200, %dma_start3A_203, %dma_start3A_201, %dma_start3A_204, %dma_start3A_202, %dma_start3A_205] : memref<32x48x4x28x4x28xf32, #tpu.memory_space<hbm>> -> memref<1x48x1x28x1x28xf32, #tpu.memory_space<hbm>>
    %dma_start3A_207 = tpu.memref_squeeze %dma_start3A_206 : memref<1x48x1x28x1x28xf32, #tpu.memory_space<hbm>> -> memref<48x28x28xf32, #tpu.memory_space<hbm>>
    %dma_start3A_208 = arith.constant 0 : i32
    %dma_start3A_209 = arith.constant 0 : i32
    %dma_start3A_210 = arith.constant 0 : i32
    %dma_start3A_211 = tpu.memref_slice %arg2[%squeeze3A_200, %dma_start3A_208, %dma_start3A_201, %dma_start3A_209, %dma_start3A_202, %dma_start3A_210] : memref<32x48x4x28x4x28xf32, #tpu.memory_space<hbm>> -> memref<1x48x1x28x1x28xf32, #tpu.memory_space<hbm>>
    %dma_start3A_212 = tpu.memref_squeeze %dma_start3A_211 : memref<1x48x1x28x1x28xf32, #tpu.memory_space<hbm>> -> memref<48x28x28xf32, #tpu.memory_space<hbm>>
    tpu.enqueue_dma source(%dma_start3A_212 : memref<48x28x28xf32, #tpu.memory_space<hbm>>) target(%arg6 : memref<48x28x28xf32, #tpu.memory_space<vmem>>) target_semaphore(%arg8 : memref<!tpu.dma_semaphore, #tpu.memory_space<semaphore_mem>>)
    %dma_wait3A_213 = arith.constant 1 : i32
    %dma_wait3A_214 = arith.constant 0 : i32
    %dma_wait3A_215 = arith.constant 0 : i32
    %dma_wait3A_216 = arith.constant 0 : i32
    %dma_wait3A_217 = arith.constant 0 : i32
    %dma_wait3A_218 = tpu.memref_slice %arg2[%squeeze3A_200, %dma_wait3A_215, %dma_wait3A_213, %dma_wait3A_216, %dma_wait3A_214, %dma_wait3A_217] : memref<32x48x4x28x4x28xf32, #tpu.memory_space<hbm>> -> memref<1x48x1x28x1x28xf32, #tpu.memory_space<hbm>>
    %dma_wait3A_219 = tpu.memref_squeeze %dma_wait3A_218 : memref<1x48x1x28x1x28xf32, #tpu.memory_space<hbm>> -> memref<48x28x28xf32, #tpu.memory_space<hbm>>
    %dma_wait3A_220 = arith.constant 0 : i32
    %dma_wait3A_221 = arith.constant 0 : i32
    %dma_wait3A_222 = arith.constant 0 : i32
    %dma_wait3A_223 = tpu.memref_slice %arg2[%squeeze3A_200, %dma_wait3A_220, %dma_wait3A_213, %dma_wait3A_221, %dma_wait3A_214, %dma_wait3A_222] : memref<32x48x4x28x4x28xf32, #tpu.memory_space<hbm>> -> memref<1x48x1x28x1x28xf32, #tpu.memory_space<hbm>>
    %dma_wait3A_224 = tpu.memref_squeeze %dma_wait3A_223 : memref<1x48x1x28x1x28xf32, #tpu.memory_space<hbm>> -> memref<48x28x28xf32, #tpu.memory_space<hbm>>
    tpu.wait_dma2 semaphore(%arg8 : memref<!tpu.dma_semaphore, #tpu.memory_space<semaphore_mem>>) src(%dma_wait3A_224 : memref<48x28x28xf32, #tpu.memory_space<hbm>>) dst(%arg6 : memref<48x28x28xf32, #tpu.memory_space<vmem>>)
    %dma_start3A_225 = arith.constant 1 : i32
    %dma_start3A_226 = arith.constant 0 : i32
    %dma_start3A_227 = arith.constant 0 : i32
    %dma_start3A_228 = arith.constant 0 : i32
    %dma_start3A_229 = arith.constant 0 : i32
    %dma_start3A_230 = tpu.memref_slice %arg4[%add3A, %dma_start3A_227, %dma_start3A_225, %dma_start3A_228, %dma_start3A_226, %dma_start3A_229] : memref<32x48x4x28x4x28xf32, #tpu.memory_space<hbm>> -> memref<1x48x1x28x1x28xf32, #tpu.memory_space<hbm>>
    %dma_start3A_231 = tpu.memref_squeeze %dma_start3A_230 : memref<1x48x1x28x1x28xf32, #tpu.memory_space<hbm>> -> memref<48x28x28xf32, #tpu.memory_space<hbm>>
    %dma_start3A_232 = arith.constant 0 : i32
    %dma_start3A_233 = arith.constant 0 : i32
    %dma_start3A_234 = arith.constant 0 : i32
    %dma_start3A_235 = tpu.memref_slice %arg4[%add3A, %dma_start3A_232, %dma_start3A_225, %dma_start3A_233, %dma_start3A_226, %dma_start3A_234] : memref<32x48x4x28x4x28xf32, #tpu.memory_space<hbm>> -> memref<1x48x1x28x1x28xf32, #tpu.memory_space<hbm>>
    %dma_start3A_236 = tpu.memref_squeeze %dma_start3A_235 : memref<1x48x1x28x1x28xf32, #tpu.memory_space<hbm>> -> memref<48x28x28xf32, #tpu.memory_space<hbm>>
    tpu.enqueue_dma source(%arg6 : memref<48x28x28xf32, #tpu.memory_space<vmem>>) target(%dma_start3A_236 : memref<48x28x28xf32, #tpu.memory_space<hbm>>) target_semaphore(%arg10 : memref<!tpu.dma_semaphore, #tpu.memory_space<semaphore_mem>>)
    %slice3A_237 = vector.extract_strided_slice %get3A_2 {offsets = [5], sizes = [1], strides = [1]} : vector<16xi32> to vector<1xi32>
    %squeeze3A_238 = vector.extract %slice3A_237[0] : i32 from vector<1xi32>
    %dma_start3A_239 = arith.constant 1 : i32
    %dma_start3A_240 = arith.constant 1 : i32
    %dma_start3A_241 = arith.constant 0 : i32
    %dma_start3A_242 = arith.constant 0 : i32
    %dma_start3A_243 = arith.constant 0 : i32
    %dma_start3A_244 = tpu.memref_slice %arg2[%squeeze3A_238, %dma_start3A_241, %dma_start3A_239, %dma_start3A_242, %dma_start3A_240, %dma_start3A_243] : memref<32x48x4x28x4x28xf32, #tpu.memory_space<hbm>> -> memref<1x48x1x28x1x28xf32, #tpu.memory_space<hbm>>
    %dma_start3A_245 = tpu.memref_squeeze %dma_start3A_244 : memref<1x48x1x28x1x28xf32, #tpu.memory_space<hbm>> -> memref<48x28x28xf32, #tpu.memory_space<hbm>>
    %dma_start3A_246 = arith.constant 0 : i32
    %dma_start3A_247 = arith.constant 0 : i32
    %dma_start3A_248 = arith.constant 0 : i32
    %dma_start3A_249 = tpu.memref_slice %arg2[%squeeze3A_238, %dma_start3A_246, %dma_start3A_239, %dma_start3A_247, %dma_start3A_240, %dma_start3A_248] : memref<32x48x4x28x4x28xf32, #tpu.memory_space<hbm>> -> memref<1x48x1x28x1x28xf32, #tpu.memory_space<hbm>>
    %dma_start3A_250 = tpu.memref_squeeze %dma_start3A_249 : memref<1x48x1x28x1x28xf32, #tpu.memory_space<hbm>> -> memref<48x28x28xf32, #tpu.memory_space<hbm>>
    tpu.enqueue_dma source(%dma_start3A_250 : memref<48x28x28xf32, #tpu.memory_space<hbm>>) target(%arg7 : memref<48x28x28xf32, #tpu.memory_space<vmem>>) target_semaphore(%arg9 : memref<!tpu.dma_semaphore, #tpu.memory_space<semaphore_mem>>)
    %dma_wait3A_251 = arith.constant 1 : i32
    %dma_wait3A_252 = arith.constant 1 : i32
    %dma_wait3A_253 = arith.constant 0 : i32
    %dma_wait3A_254 = arith.constant 0 : i32
    %dma_wait3A_255 = arith.constant 0 : i32
    %dma_wait3A_256 = tpu.memref_slice %arg2[%squeeze3A_238, %dma_wait3A_253, %dma_wait3A_251, %dma_wait3A_254, %dma_wait3A_252, %dma_wait3A_255] : memref<32x48x4x28x4x28xf32, #tpu.memory_space<hbm>> -> memref<1x48x1x28x1x28xf32, #tpu.memory_space<hbm>>
    %dma_wait3A_257 = tpu.memref_squeeze %dma_wait3A_256 : memref<1x48x1x28x1x28xf32, #tpu.memory_space<hbm>> -> memref<48x28x28xf32, #tpu.memory_space<hbm>>
    %dma_wait3A_258 = arith.constant 0 : i32
    %dma_wait3A_259 = arith.constant 0 : i32
    %dma_wait3A_260 = arith.constant 0 : i32
    %dma_wait3A_261 = tpu.memref_slice %arg2[%squeeze3A_238, %dma_wait3A_258, %dma_wait3A_251, %dma_wait3A_259, %dma_wait3A_252, %dma_wait3A_260] : memref<32x48x4x28x4x28xf32, #tpu.memory_space<hbm>> -> memref<1x48x1x28x1x28xf32, #tpu.memory_space<hbm>>
    %dma_wait3A_262 = tpu.memref_squeeze %dma_wait3A_261 : memref<1x48x1x28x1x28xf32, #tpu.memory_space<hbm>> -> memref<48x28x28xf32, #tpu.memory_space<hbm>>
    tpu.wait_dma2 semaphore(%arg9 : memref<!tpu.dma_semaphore, #tpu.memory_space<semaphore_mem>>) src(%dma_wait3A_262 : memref<48x28x28xf32, #tpu.memory_space<hbm>>) dst(%arg7 : memref<48x28x28xf32, #tpu.memory_space<vmem>>)
    %dma_start3A_263 = arith.constant 1 : i32
    %dma_start3A_264 = arith.constant 1 : i32
    %dma_start3A_265 = arith.constant 0 : i32
    %dma_start3A_266 = arith.constant 0 : i32
    %dma_start3A_267 = arith.constant 0 : i32
    %dma_start3A_268 = tpu.memref_slice %arg4[%add3A, %dma_start3A_265, %dma_start3A_263, %dma_start3A_266, %dma_start3A_264, %dma_start3A_267] : memref<32x48x4x28x4x28xf32, #tpu.memory_space<hbm>> -> memref<1x48x1x28x1x28xf32, #tpu.memory_space<hbm>>
    %dma_start3A_269 = tpu.memref_squeeze %dma_start3A_268 : memref<1x48x1x28x1x28xf32, #tpu.memory_space<hbm>> -> memref<48x28x28xf32, #tpu.memory_space<hbm>>
    %dma_start3A_270 = arith.constant 0 : i32
    %dma_start3A_271 = arith.constant 0 : i32
    %dma_start3A_272 = arith.constant 0 : i32
    %dma_start3A_273 = tpu.memref_slice %arg4[%add3A, %dma_start3A_270, %dma_start3A_263, %dma_start3A_271, %dma_start3A_264, %dma_start3A_272] : memref<32x48x4x28x4x28xf32, #tpu.memory_space<hbm>> -> memref<1x48x1x28x1x28xf32, #tpu.memory_space<hbm>>
    %dma_start3A_274 = tpu.memref_squeeze %dma_start3A_273 : memref<1x48x1x28x1x28xf32, #tpu.memory_space<hbm>> -> memref<48x28x28xf32, #tpu.memory_space<hbm>>
    tpu.enqueue_dma source(%arg7 : memref<48x28x28xf32, #tpu.memory_space<vmem>>) target(%dma_start3A_274 : memref<48x28x28xf32, #tpu.memory_space<hbm>>) target_semaphore(%arg11 : memref<!tpu.dma_semaphore, #tpu.memory_space<semaphore_mem>>)
    %dma_wait3A_275 = arith.constant 1 : i32
    %dma_wait3A_276 = arith.constant 0 : i32
    %dma_wait3A_277 = arith.constant 0 : i32
    %dma_wait3A_278 = arith.constant 0 : i32
    %dma_wait3A_279 = arith.constant 0 : i32
    %dma_wait3A_280 = tpu.memref_slice %arg4[%add3A, %dma_wait3A_277, %dma_wait3A_275, %dma_wait3A_278, %dma_wait3A_276, %dma_wait3A_279] : memref<32x48x4x28x4x28xf32, #tpu.memory_space<hbm>> -> memref<1x48x1x28x1x28xf32, #tpu.memory_space<hbm>>
    %dma_wait3A_281 = tpu.memref_squeeze %dma_wait3A_280 : memref<1x48x1x28x1x28xf32, #tpu.memory_space<hbm>> -> memref<48x28x28xf32, #tpu.memory_space<hbm>>
    %dma_wait3A_282 = arith.constant 0 : i32
    %dma_wait3A_283 = arith.constant 0 : i32
    %dma_wait3A_284 = arith.constant 0 : i32
    %dma_wait3A_285 = tpu.memref_slice %arg4[%add3A, %dma_wait3A_282, %dma_wait3A_275, %dma_wait3A_283, %dma_wait3A_276, %dma_wait3A_284] : memref<32x48x4x28x4x28xf32, #tpu.memory_space<hbm>> -> memref<1x48x1x28x1x28xf32, #tpu.memory_space<hbm>>
    %dma_wait3A_286 = tpu.memref_squeeze %dma_wait3A_285 : memref<1x48x1x28x1x28xf32, #tpu.memory_space<hbm>> -> memref<48x28x28xf32, #tpu.memory_space<hbm>>
    tpu.wait_dma2 semaphore(%arg10 : memref<!tpu.dma_semaphore, #tpu.memory_space<semaphore_mem>>) src(%arg6 : memref<48x28x28xf32, #tpu.memory_space<vmem>>) dst(%dma_wait3A_286 : memref<48x28x28xf32, #tpu.memory_space<hbm>>)
    %dma_wait3A_287 = arith.constant 1 : i32
    %dma_wait3A_288 = arith.constant 1 : i32
    %dma_wait3A_289 = arith.constant 0 : i32
    %dma_wait3A_290 = arith.constant 0 : i32
    %dma_wait3A_291 = arith.constant 0 : i32
    %dma_wait3A_292 = tpu.memref_slice %arg4[%add3A, %dma_wait3A_289, %dma_wait3A_287, %dma_wait3A_290, %dma_wait3A_288, %dma_wait3A_291] : memref<32x48x4x28x4x28xf32, #tpu.memory_space<hbm>> -> memref<1x48x1x28x1x28xf32, #tpu.memory_space<hbm>>
    %dma_wait3A_293 = tpu.memref_squeeze %dma_wait3A_292 : memref<1x48x1x28x1x28xf32, #tpu.memory_space<hbm>> -> memref<48x28x28xf32, #tpu.memory_space<hbm>>
    %dma_wait3A_294 = arith.constant 0 : i32
    %dma_wait3A_295 = arith.constant 0 : i32
    %dma_wait3A_296 = arith.constant 0 : i32
    %dma_wait3A_297 = tpu.memref_slice %arg4[%add3A, %dma_wait3A_294, %dma_wait3A_287, %dma_wait3A_295, %dma_wait3A_288, %dma_wait3A_296] : memref<32x48x4x28x4x28xf32, #tpu.memory_space<hbm>> -> memref<1x48x1x28x1x28xf32, #tpu.memory_space<hbm>>
    %dma_wait3A_298 = tpu.memref_squeeze %dma_wait3A_297 : memref<1x48x1x28x1x28xf32, #tpu.memory_space<hbm>> -> memref<48x28x28xf32, #tpu.memory_space<hbm>>
    tpu.wait_dma2 semaphore(%arg11 : memref<!tpu.dma_semaphore, #tpu.memory_space<semaphore_mem>>) src(%arg7 : memref<48x28x28xf32, #tpu.memory_space<vmem>>) dst(%dma_wait3A_298 : memref<48x28x28xf32, #tpu.memory_space<hbm>>)
    %slice3A_299 = vector.extract_strided_slice %get3A_2 {offsets = [6], sizes = [1], strides = [1]} : vector<16xi32> to vector<1xi32>
    %squeeze3A_300 = vector.extract %slice3A_299[0] : i32 from vector<1xi32>
    %dma_start3A_301 = arith.constant 1 : i32
    %dma_start3A_302 = arith.constant 2 : i32
    %dma_start3A_303 = arith.constant 0 : i32
    %dma_start3A_304 = arith.constant 0 : i32
    %dma_start3A_305 = arith.constant 0 : i32
    %dma_start3A_306 = tpu.memref_slice %arg2[%squeeze3A_300, %dma_start3A_303, %dma_start3A_301, %dma_start3A_304, %dma_start3A_302, %dma_start3A_305] : memref<32x48x4x28x4x28xf32, #tpu.memory_space<hbm>> -> memref<1x48x1x28x1x28xf32, #tpu.memory_space<hbm>>
    %dma_start3A_307 = tpu.memref_squeeze %dma_start3A_306 : memref<1x48x1x28x1x28xf32, #tpu.memory_space<hbm>> -> memref<48x28x28xf32, #tpu.memory_space<hbm>>
    %dma_start3A_308 = arith.constant 0 : i32
    %dma_start3A_309 = arith.constant 0 : i32
    %dma_start3A_310 = arith.constant 0 : i32
    %dma_start3A_311 = tpu.memref_slice %arg2[%squeeze3A_300, %dma_start3A_308, %dma_start3A_301, %dma_start3A_309, %dma_start3A_302, %dma_start3A_310] : memref<32x48x4x28x4x28xf32, #tpu.memory_space<hbm>> -> memref<1x48x1x28x1x28xf32, #tpu.memory_space<hbm>>
    %dma_start3A_312 = tpu.memref_squeeze %dma_start3A_311 : memref<1x48x1x28x1x28xf32, #tpu.memory_space<hbm>> -> memref<48x28x28xf32, #tpu.memory_space<hbm>>
    tpu.enqueue_dma source(%dma_start3A_312 : memref<48x28x28xf32, #tpu.memory_space<hbm>>) target(%arg6 : memref<48x28x28xf32, #tpu.memory_space<vmem>>) target_semaphore(%arg8 : memref<!tpu.dma_semaphore, #tpu.memory_space<semaphore_mem>>)
    %dma_wait3A_313 = arith.constant 1 : i32
    %dma_wait3A_314 = arith.constant 2 : i32
    %dma_wait3A_315 = arith.constant 0 : i32
    %dma_wait3A_316 = arith.constant 0 : i32
    %dma_wait3A_317 = arith.constant 0 : i32
    %dma_wait3A_318 = tpu.memref_slice %arg2[%squeeze3A_300, %dma_wait3A_315, %dma_wait3A_313, %dma_wait3A_316, %dma_wait3A_314, %dma_wait3A_317] : memref<32x48x4x28x4x28xf32, #tpu.memory_space<hbm>> -> memref<1x48x1x28x1x28xf32, #tpu.memory_space<hbm>>
    %dma_wait3A_319 = tpu.memref_squeeze %dma_wait3A_318 : memref<1x48x1x28x1x28xf32, #tpu.memory_space<hbm>> -> memref<48x28x28xf32, #tpu.memory_space<hbm>>
    %dma_wait3A_320 = arith.constant 0 : i32
    %dma_wait3A_321 = arith.constant 0 : i32
    %dma_wait3A_322 = arith.constant 0 : i32
    %dma_wait3A_323 = tpu.memref_slice %arg2[%squeeze3A_300, %dma_wait3A_320, %dma_wait3A_313, %dma_wait3A_321, %dma_wait3A_314, %dma_wait3A_322] : memref<32x48x4x28x4x28xf32, #tpu.memory_space<hbm>> -> memref<1x48x1x28x1x28xf32, #tpu.memory_space<hbm>>
    %dma_wait3A_324 = tpu.memref_squeeze %dma_wait3A_323 : memref<1x48x1x28x1x28xf32, #tpu.memory_space<hbm>> -> memref<48x28x28xf32, #tpu.memory_space<hbm>>
    tpu.wait_dma2 semaphore(%arg8 : memref<!tpu.dma_semaphore, #tpu.memory_space<semaphore_mem>>) src(%dma_wait3A_324 : memref<48x28x28xf32, #tpu.memory_space<hbm>>) dst(%arg6 : memref<48x28x28xf32, #tpu.memory_space<vmem>>)
    %dma_start3A_325 = arith.constant 1 : i32
    %dma_start3A_326 = arith.constant 2 : i32
    %dma_start3A_327 = arith.constant 0 : i32
    %dma_start3A_328 = arith.constant 0 : i32
    %dma_start3A_329 = arith.constant 0 : i32
    %dma_start3A_330 = tpu.memref_slice %arg4[%add3A, %dma_start3A_327, %dma_start3A_325, %dma_start3A_328, %dma_start3A_326, %dma_start3A_329] : memref<32x48x4x28x4x28xf32, #tpu.memory_space<hbm>> -> memref<1x48x1x28x1x28xf32, #tpu.memory_space<hbm>>
    %dma_start3A_331 = tpu.memref_squeeze %dma_start3A_330 : memref<1x48x1x28x1x28xf32, #tpu.memory_space<hbm>> -> memref<48x28x28xf32, #tpu.memory_space<hbm>>
    %dma_start3A_332 = arith.constant 0 : i32
    %dma_start3A_333 = arith.constant 0 : i32
    %dma_start3A_334 = arith.constant 0 : i32
    %dma_start3A_335 = tpu.memref_slice %arg4[%add3A, %dma_start3A_332, %dma_start3A_325, %dma_start3A_333, %dma_start3A_326, %dma_start3A_334] : memref<32x48x4x28x4x28xf32, #tpu.memory_space<hbm>> -> memref<1x48x1x28x1x28xf32, #tpu.memory_space<hbm>>
    %dma_start3A_336 = tpu.memref_squeeze %dma_start3A_335 : memref<1x48x1x28x1x28xf32, #tpu.memory_space<hbm>> -> memref<48x28x28xf32, #tpu.memory_space<hbm>>
    tpu.enqueue_dma source(%arg6 : memref<48x28x28xf32, #tpu.memory_space<vmem>>) target(%dma_start3A_336 : memref<48x28x28xf32, #tpu.memory_space<hbm>>) target_semaphore(%arg10 : memref<!tpu.dma_semaphore, #tpu.memory_space<semaphore_mem>>)
    %slice3A_337 = vector.extract_strided_slice %get3A_2 {offsets = [7], sizes = [1], strides = [1]} : vector<16xi32> to vector<1xi32>
    %squeeze3A_338 = vector.extract %slice3A_337[0] : i32 from vector<1xi32>
    %dma_start3A_339 = arith.constant 1 : i32
    %dma_start3A_340 = arith.constant 3 : i32
    %dma_start3A_341 = arith.constant 0 : i32
    %dma_start3A_342 = arith.constant 0 : i32
    %dma_start3A_343 = arith.constant 0 : i32
    %dma_start3A_344 = tpu.memref_slice %arg2[%squeeze3A_338, %dma_start3A_341, %dma_start3A_339, %dma_start3A_342, %dma_start3A_340, %dma_start3A_343] : memref<32x48x4x28x4x28xf32, #tpu.memory_space<hbm>> -> memref<1x48x1x28x1x28xf32, #tpu.memory_space<hbm>>
    %dma_start3A_345 = tpu.memref_squeeze %dma_start3A_344 : memref<1x48x1x28x1x28xf32, #tpu.memory_space<hbm>> -> memref<48x28x28xf32, #tpu.memory_space<hbm>>
    %dma_start3A_346 = arith.constant 0 : i32
    %dma_start3A_347 = arith.constant 0 : i32
    %dma_start3A_348 = arith.constant 0 : i32
    %dma_start3A_349 = tpu.memref_slice %arg2[%squeeze3A_338, %dma_start3A_346, %dma_start3A_339, %dma_start3A_347, %dma_start3A_340, %dma_start3A_348] : memref<32x48x4x28x4x28xf32, #tpu.memory_space<hbm>> -> memref<1x48x1x28x1x28xf32, #tpu.memory_space<hbm>>
    %dma_start3A_350 = tpu.memref_squeeze %dma_start3A_349 : memref<1x48x1x28x1x28xf32, #tpu.memory_space<hbm>> -> memref<48x28x28xf32, #tpu.memory_space<hbm>>
    tpu.enqueue_dma source(%dma_start3A_350 : memref<48x28x28xf32, #tpu.memory_space<hbm>>) target(%arg7 : memref<48x28x28xf32, #tpu.memory_space<vmem>>) target_semaphore(%arg9 : memref<!tpu.dma_semaphore, #tpu.memory_space<semaphore_mem>>)
    %dma_wait3A_351 = arith.constant 1 : i32
    %dma_wait3A_352 = arith.constant 3 : i32
    %dma_wait3A_353 = arith.constant 0 : i32
    %dma_wait3A_354 = arith.constant 0 : i32
    %dma_wait3A_355 = arith.constant 0 : i32
    %dma_wait3A_356 = tpu.memref_slice %arg2[%squeeze3A_338, %dma_wait3A_353, %dma_wait3A_351, %dma_wait3A_354, %dma_wait3A_352, %dma_wait3A_355] : memref<32x48x4x28x4x28xf32, #tpu.memory_space<hbm>> -> memref<1x48x1x28x1x28xf32, #tpu.memory_space<hbm>>
    %dma_wait3A_357 = tpu.memref_squeeze %dma_wait3A_356 : memref<1x48x1x28x1x28xf32, #tpu.memory_space<hbm>> -> memref<48x28x28xf32, #tpu.memory_space<hbm>>
    %dma_wait3A_358 = arith.constant 0 : i32
    %dma_wait3A_359 = arith.constant 0 : i32
    %dma_wait3A_360 = arith.constant 0 : i32
    %dma_wait3A_361 = tpu.memref_slice %arg2[%squeeze3A_338, %dma_wait3A_358, %dma_wait3A_351, %dma_wait3A_359, %dma_wait3A_352, %dma_wait3A_360] : memref<32x48x4x28x4x28xf32, #tpu.memory_space<hbm>> -> memref<1x48x1x28x1x28xf32, #tpu.memory_space<hbm>>
    %dma_wait3A_362 = tpu.memref_squeeze %dma_wait3A_361 : memref<1x48x1x28x1x28xf32, #tpu.memory_space<hbm>> -> memref<48x28x28xf32, #tpu.memory_space<hbm>>
    tpu.wait_dma2 semaphore(%arg9 : memref<!tpu.dma_semaphore, #tpu.memory_space<semaphore_mem>>) src(%dma_wait3A_362 : memref<48x28x28xf32, #tpu.memory_space<hbm>>) dst(%arg7 : memref<48x28x28xf32, #tpu.memory_space<vmem>>)
    %dma_start3A_363 = arith.constant 1 : i32
    %dma_start3A_364 = arith.constant 3 : i32
    %dma_start3A_365 = arith.constant 0 : i32
    %dma_start3A_366 = arith.constant 0 : i32
    %dma_start3A_367 = arith.constant 0 : i32
    %dma_start3A_368 = tpu.memref_slice %arg4[%add3A, %dma_start3A_365, %dma_start3A_363, %dma_start3A_366, %dma_start3A_364, %dma_start3A_367] : memref<32x48x4x28x4x28xf32, #tpu.memory_space<hbm>> -> memref<1x48x1x28x1x28xf32, #tpu.memory_space<hbm>>
    %dma_start3A_369 = tpu.memref_squeeze %dma_start3A_368 : memref<1x48x1x28x1x28xf32, #tpu.memory_space<hbm>> -> memref<48x28x28xf32, #tpu.memory_space<hbm>>
    %dma_start3A_370 = arith.constant 0 : i32
    %dma_start3A_371 = arith.constant 0 : i32
    %dma_start3A_372 = arith.constant 0 : i32
    %dma_start3A_373 = tpu.memref_slice %arg4[%add3A, %dma_start3A_370, %dma_start3A_363, %dma_start3A_371, %dma_start3A_364, %dma_start3A_372] : memref<32x48x4x28x4x28xf32, #tpu.memory_space<hbm>> -> memref<1x48x1x28x1x28xf32, #tpu.memory_space<hbm>>
    %dma_start3A_374 = tpu.memref_squeeze %dma_start3A_373 : memref<1x48x1x28x1x28xf32, #tpu.memory_space<hbm>> -> memref<48x28x28xf32, #tpu.memory_space<hbm>>
    tpu.enqueue_dma source(%arg7 : memref<48x28x28xf32, #tpu.memory_space<vmem>>) target(%dma_start3A_374 : memref<48x28x28xf32, #tpu.memory_space<hbm>>) target_semaphore(%arg11 : memref<!tpu.dma_semaphore, #tpu.memory_space<semaphore_mem>>)
    %dma_wait3A_375 = arith.constant 1 : i32
    %dma_wait3A_376 = arith.constant 2 : i32
    %dma_wait3A_377 = arith.constant 0 : i32
    %dma_wait3A_378 = arith.constant 0 : i32
    %dma_wait3A_379 = arith.constant 0 : i32
    %dma_wait3A_380 = tpu.memref_slice %arg4[%add3A, %dma_wait3A_377, %dma_wait3A_375, %dma_wait3A_378, %dma_wait3A_376, %dma_wait3A_379] : memref<32x48x4x28x4x28xf32, #tpu.memory_space<hbm>> -> memref<1x48x1x28x1x28xf32, #tpu.memory_space<hbm>>
    %dma_wait3A_381 = tpu.memref_squeeze %dma_wait3A_380 : memref<1x48x1x28x1x28xf32, #tpu.memory_space<hbm>> -> memref<48x28x28xf32, #tpu.memory_space<hbm>>
    %dma_wait3A_382 = arith.constant 0 : i32
    %dma_wait3A_383 = arith.constant 0 : i32
    %dma_wait3A_384 = arith.constant 0 : i32
    %dma_wait3A_385 = tpu.memref_slice %arg4[%add3A, %dma_wait3A_382, %dma_wait3A_375, %dma_wait3A_383, %dma_wait3A_376, %dma_wait3A_384] : memref<32x48x4x28x4x28xf32, #tpu.memory_space<hbm>> -> memref<1x48x1x28x1x28xf32, #tpu.memory_space<hbm>>
    %dma_wait3A_386 = tpu.memref_squeeze %dma_wait3A_385 : memref<1x48x1x28x1x28xf32, #tpu.memory_space<hbm>> -> memref<48x28x28xf32, #tpu.memory_space<hbm>>
    tpu.wait_dma2 semaphore(%arg10 : memref<!tpu.dma_semaphore, #tpu.memory_space<semaphore_mem>>) src(%arg6 : memref<48x28x28xf32, #tpu.memory_space<vmem>>) dst(%dma_wait3A_386 : memref<48x28x28xf32, #tpu.memory_space<hbm>>)
    %dma_wait3A_387 = arith.constant 1 : i32
    %dma_wait3A_388 = arith.constant 3 : i32
    %dma_wait3A_389 = arith.constant 0 : i32
    %dma_wait3A_390 = arith.constant 0 : i32
    %dma_wait3A_391 = arith.constant 0 : i32
    %dma_wait3A_392 = tpu.memref_slice %arg4[%add3A, %dma_wait3A_389, %dma_wait3A_387, %dma_wait3A_390, %dma_wait3A_388, %dma_wait3A_391] : memref<32x48x4x28x4x28xf32, #tpu.memory_space<hbm>> -> memref<1x48x1x28x1x28xf32, #tpu.memory_space<hbm>>
    %dma_wait3A_393 = tpu.memref_squeeze %dma_wait3A_392 : memref<1x48x1x28x1x28xf32, #tpu.memory_space<hbm>> -> memref<48x28x28xf32, #tpu.memory_space<hbm>>
    %dma_wait3A_394 = arith.constant 0 : i32
    %dma_wait3A_395 = arith.constant 0 : i32
    %dma_wait3A_396 = arith.constant 0 : i32
    %dma_wait3A_397 = tpu.memref_slice %arg4[%add3A, %dma_wait3A_394, %dma_wait3A_387, %dma_wait3A_395, %dma_wait3A_388, %dma_wait3A_396] : memref<32x48x4x28x4x28xf32, #tpu.memory_space<hbm>> -> memref<1x48x1x28x1x28xf32, #tpu.memory_space<hbm>>
    %dma_wait3A_398 = tpu.memref_squeeze %dma_wait3A_397 : memref<1x48x1x28x1x28xf32, #tpu.memory_space<hbm>> -> memref<48x28x28xf32, #tpu.memory_space<hbm>>
    tpu.wait_dma2 semaphore(%arg11 : memref<!tpu.dma_semaphore, #tpu.memory_space<semaphore_mem>>) src(%arg7 : memref<48x28x28xf32, #tpu.memory_space<vmem>>) dst(%dma_wait3A_398 : memref<48x28x28xf32, #tpu.memory_space<hbm>>)
    %slice3A_399 = vector.extract_strided_slice %get3A_2 {offsets = [8], sizes = [1], strides = [1]} : vector<16xi32> to vector<1xi32>
    %squeeze3A_400 = vector.extract %slice3A_399[0] : i32 from vector<1xi32>
    %dma_start3A_401 = arith.constant 2 : i32
    %dma_start3A_402 = arith.constant 0 : i32
    %dma_start3A_403 = arith.constant 0 : i32
    %dma_start3A_404 = arith.constant 0 : i32
    %dma_start3A_405 = arith.constant 0 : i32
    %dma_start3A_406 = tpu.memref_slice %arg2[%squeeze3A_400, %dma_start3A_403, %dma_start3A_401, %dma_start3A_404, %dma_start3A_402, %dma_start3A_405] : memref<32x48x4x28x4x28xf32, #tpu.memory_space<hbm>> -> memref<1x48x1x28x1x28xf32, #tpu.memory_space<hbm>>
    %dma_start3A_407 = tpu.memref_squeeze %dma_start3A_406 : memref<1x48x1x28x1x28xf32, #tpu.memory_space<hbm>> -> memref<48x28x28xf32, #tpu.memory_space<hbm>>
    %dma_start3A_408 = arith.constant 0 : i32
    %dma_start3A_409 = arith.constant 0 : i32
    %dma_start3A_410 = arith.constant 0 : i32
    %dma_start3A_411 = tpu.memref_slice %arg2[%squeeze3A_400, %dma_start3A_408, %dma_start3A_401, %dma_start3A_409, %dma_start3A_402, %dma_start3A_410] : memref<32x48x4x28x4x28xf32, #tpu.memory_space<hbm>> -> memref<1x48x1x28x1x28xf32, #tpu.memory_space<hbm>>
    %dma_start3A_412 = tpu.memref_squeeze %dma_start3A_411 : memref<1x48x1x28x1x28xf32, #tpu.memory_space<hbm>> -> memref<48x28x28xf32, #tpu.memory_space<hbm>>
    tpu.enqueue_dma source(%dma_start3A_412 : memref<48x28x28xf32, #tpu.memory_space<hbm>>) target(%arg6 : memref<48x28x28xf32, #tpu.memory_space<vmem>>) target_semaphore(%arg8 : memref<!tpu.dma_semaphore, #tpu.memory_space<semaphore_mem>>)
    %dma_wait3A_413 = arith.constant 2 : i32
    %dma_wait3A_414 = arith.constant 0 : i32
    %dma_wait3A_415 = arith.constant 0 : i32
    %dma_wait3A_416 = arith.constant 0 : i32
    %dma_wait3A_417 = arith.constant 0 : i32
    %dma_wait3A_418 = tpu.memref_slice %arg2[%squeeze3A_400, %dma_wait3A_415, %dma_wait3A_413, %dma_wait3A_416, %dma_wait3A_414, %dma_wait3A_417] : memref<32x48x4x28x4x28xf32, #tpu.memory_space<hbm>> -> memref<1x48x1x28x1x28xf32, #tpu.memory_space<hbm>>
    %dma_wait3A_419 = tpu.memref_squeeze %dma_wait3A_418 : memref<1x48x1x28x1x28xf32, #tpu.memory_space<hbm>> -> memref<48x28x28xf32, #tpu.memory_space<hbm>>
    %dma_wait3A_420 = arith.constant 0 : i32
    %dma_wait3A_421 = arith.constant 0 : i32
    %dma_wait3A_422 = arith.constant 0 : i32
    %dma_wait3A_423 = tpu.memref_slice %arg2[%squeeze3A_400, %dma_wait3A_420, %dma_wait3A_413, %dma_wait3A_421, %dma_wait3A_414, %dma_wait3A_422] : memref<32x48x4x28x4x28xf32, #tpu.memory_space<hbm>> -> memref<1x48x1x28x1x28xf32, #tpu.memory_space<hbm>>
    %dma_wait3A_424 = tpu.memref_squeeze %dma_wait3A_423 : memref<1x48x1x28x1x28xf32, #tpu.memory_space<hbm>> -> memref<48x28x28xf32, #tpu.memory_space<hbm>>
    tpu.wait_dma2 semaphore(%arg8 : memref<!tpu.dma_semaphore, #tpu.memory_space<semaphore_mem>>) src(%dma_wait3A_424 : memref<48x28x28xf32, #tpu.memory_space<hbm>>) dst(%arg6 : memref<48x28x28xf32, #tpu.memory_space<vmem>>)
    %dma_start3A_425 = arith.constant 2 : i32
    %dma_start3A_426 = arith.constant 0 : i32
    %dma_start3A_427 = arith.constant 0 : i32
    %dma_start3A_428 = arith.constant 0 : i32
    %dma_start3A_429 = arith.constant 0 : i32
    %dma_start3A_430 = tpu.memref_slice %arg4[%add3A, %dma_start3A_427, %dma_start3A_425, %dma_start3A_428, %dma_start3A_426, %dma_start3A_429] : memref<32x48x4x28x4x28xf32, #tpu.memory_space<hbm>> -> memref<1x48x1x28x1x28xf32, #tpu.memory_space<hbm>>
    %dma_start3A_431 = tpu.memref_squeeze %dma_start3A_430 : memref<1x48x1x28x1x28xf32, #tpu.memory_space<hbm>> -> memref<48x28x28xf32, #tpu.memory_space<hbm>>
    %dma_start3A_432 = arith.constant 0 : i32
    %dma_start3A_433 = arith.constant 0 : i32
    %dma_start3A_434 = arith.constant 0 : i32
    %dma_start3A_435 = tpu.memref_slice %arg4[%add3A, %dma_start3A_432, %dma_start3A_425, %dma_start3A_433, %dma_start3A_426, %dma_start3A_434] : memref<32x48x4x28x4x28xf32, #tpu.memory_space<hbm>> -> memref<1x48x1x28x1x28xf32, #tpu.memory_space<hbm>>
    %dma_start3A_436 = tpu.memref_squeeze %dma_start3A_435 : memref<1x48x1x28x1x28xf32, #tpu.memory_space<hbm>> -> memref<48x28x28xf32, #tpu.memory_space<hbm>>
    tpu.enqueue_dma source(%arg6 : memref<48x28x28xf32, #tpu.memory_space<vmem>>) target(%dma_start3A_436 : memref<48x28x28xf32, #tpu.memory_space<hbm>>) target_semaphore(%arg10 : memref<!tpu.dma_semaphore, #tpu.memory_space<semaphore_mem>>)
    %slice3A_437 = vector.extract_strided_slice %get3A_2 {offsets = [9], sizes = [1], strides = [1]} : vector<16xi32> to vector<1xi32>
    %squeeze3A_438 = vector.extract %slice3A_437[0] : i32 from vector<1xi32>
    %dma_start3A_439 = arith.constant 2 : i32
    %dma_start3A_440 = arith.constant 1 : i32
    %dma_start3A_441 = arith.constant 0 : i32
    %dma_start3A_442 = arith.constant 0 : i32
    %dma_start3A_443 = arith.constant 0 : i32
    %dma_start3A_444 = tpu.memref_slice %arg2[%squeeze3A_438, %dma_start3A_441, %dma_start3A_439, %dma_start3A_442, %dma_start3A_440, %dma_start3A_443] : memref<32x48x4x28x4x28xf32, #tpu.memory_space<hbm>> -> memref<1x48x1x28x1x28xf32, #tpu.memory_space<hbm>>
    %dma_start3A_445 = tpu.memref_squeeze %dma_start3A_444 : memref<1x48x1x28x1x28xf32, #tpu.memory_space<hbm>> -> memref<48x28x28xf32, #tpu.memory_space<hbm>>
    %dma_start3A_446 = arith.constant 0 : i32
    %dma_start3A_447 = arith.constant 0 : i32
    %dma_start3A_448 = arith.constant 0 : i32
    %dma_start3A_449 = tpu.memref_slice %arg2[%squeeze3A_438, %dma_start3A_446, %dma_start3A_439, %dma_start3A_447, %dma_start3A_440, %dma_start3A_448] : memref<32x48x4x28x4x28xf32, #tpu.memory_space<hbm>> -> memref<1x48x1x28x1x28xf32, #tpu.memory_space<hbm>>
    %dma_start3A_450 = tpu.memref_squeeze %dma_start3A_449 : memref<1x48x1x28x1x28xf32, #tpu.memory_space<hbm>> -> memref<48x28x28xf32, #tpu.memory_space<hbm>>
    tpu.enqueue_dma source(%dma_start3A_450 : memref<48x28x28xf32, #tpu.memory_space<hbm>>) target(%arg7 : memref<48x28x28xf32, #tpu.memory_space<vmem>>) target_semaphore(%arg9 : memref<!tpu.dma_semaphore, #tpu.memory_space<semaphore_mem>>)
    %dma_wait3A_451 = arith.constant 2 : i32
    %dma_wait3A_452 = arith.constant 1 : i32
    %dma_wait3A_453 = arith.constant 0 : i32
    %dma_wait3A_454 = arith.constant 0 : i32
    %dma_wait3A_455 = arith.constant 0 : i32
    %dma_wait3A_456 = tpu.memref_slice %arg2[%squeeze3A_438, %dma_wait3A_453, %dma_wait3A_451, %dma_wait3A_454, %dma_wait3A_452, %dma_wait3A_455] : memref<32x48x4x28x4x28xf32, #tpu.memory_space<hbm>> -> memref<1x48x1x28x1x28xf32, #tpu.memory_space<hbm>>
    %dma_wait3A_457 = tpu.memref_squeeze %dma_wait3A_456 : memref<1x48x1x28x1x28xf32, #tpu.memory_space<hbm>> -> memref<48x28x28xf32, #tpu.memory_space<hbm>>
    %dma_wait3A_458 = arith.constant 0 : i32
    %dma_wait3A_459 = arith.constant 0 : i32
    %dma_wait3A_460 = arith.constant 0 : i32
    %dma_wait3A_461 = tpu.memref_slice %arg2[%squeeze3A_438, %dma_wait3A_458, %dma_wait3A_451, %dma_wait3A_459, %dma_wait3A_452, %dma_wait3A_460] : memref<32x48x4x28x4x28xf32, #tpu.memory_space<hbm>> -> memref<1x48x1x28x1x28xf32, #tpu.memory_space<hbm>>
    %dma_wait3A_462 = tpu.memref_squeeze %dma_wait3A_461 : memref<1x48x1x28x1x28xf32, #tpu.memory_space<hbm>> -> memref<48x28x28xf32, #tpu.memory_space<hbm>>
    tpu.wait_dma2 semaphore(%arg9 : memref<!tpu.dma_semaphore, #tpu.memory_space<semaphore_mem>>) src(%dma_wait3A_462 : memref<48x28x28xf32, #tpu.memory_space<hbm>>) dst(%arg7 : memref<48x28x28xf32, #tpu.memory_space<vmem>>)
    %dma_start3A_463 = arith.constant 2 : i32
    %dma_start3A_464 = arith.constant 1 : i32
    %dma_start3A_465 = arith.constant 0 : i32
    %dma_start3A_466 = arith.constant 0 : i32
    %dma_start3A_467 = arith.constant 0 : i32
    %dma_start3A_468 = tpu.memref_slice %arg4[%add3A, %dma_start3A_465, %dma_start3A_463, %dma_start3A_466, %dma_start3A_464, %dma_start3A_467] : memref<32x48x4x28x4x28xf32, #tpu.memory_space<hbm>> -> memref<1x48x1x28x1x28xf32, #tpu.memory_space<hbm>>
    %dma_start3A_469 = tpu.memref_squeeze %dma_start3A_468 : memref<1x48x1x28x1x28xf32, #tpu.memory_space<hbm>> -> memref<48x28x28xf32, #tpu.memory_space<hbm>>
    %dma_start3A_470 = arith.constant 0 : i32
    %dma_start3A_471 = arith.constant 0 : i32
    %dma_start3A_472 = arith.constant 0 : i32
    %dma_start3A_473 = tpu.memref_slice %arg4[%add3A, %dma_start3A_470, %dma_start3A_463, %dma_start3A_471, %dma_start3A_464, %dma_start3A_472] : memref<32x48x4x28x4x28xf32, #tpu.memory_space<hbm>> -> memref<1x48x1x28x1x28xf32, #tpu.memory_space<hbm>>
    %dma_start3A_474 = tpu.memref_squeeze %dma_start3A_473 : memref<1x48x1x28x1x28xf32, #tpu.memory_space<hbm>> -> memref<48x28x28xf32, #tpu.memory_space<hbm>>
    tpu.enqueue_dma source(%arg7 : memref<48x28x28xf32, #tpu.memory_space<vmem>>) target(%dma_start3A_474 : memref<48x28x28xf32, #tpu.memory_space<hbm>>) target_semaphore(%arg11 : memref<!tpu.dma_semaphore, #tpu.memory_space<semaphore_mem>>)
    %dma_wait3A_475 = arith.constant 2 : i32
    %dma_wait3A_476 = arith.constant 0 : i32
    %dma_wait3A_477 = arith.constant 0 : i32
    %dma_wait3A_478 = arith.constant 0 : i32
    %dma_wait3A_479 = arith.constant 0 : i32
    %dma_wait3A_480 = tpu.memref_slice %arg4[%add3A, %dma_wait3A_477, %dma_wait3A_475, %dma_wait3A_478, %dma_wait3A_476, %dma_wait3A_479] : memref<32x48x4x28x4x28xf32, #tpu.memory_space<hbm>> -> memref<1x48x1x28x1x28xf32, #tpu.memory_space<hbm>>
    %dma_wait3A_481 = tpu.memref_squeeze %dma_wait3A_480 : memref<1x48x1x28x1x28xf32, #tpu.memory_space<hbm>> -> memref<48x28x28xf32, #tpu.memory_space<hbm>>
    %dma_wait3A_482 = arith.constant 0 : i32
    %dma_wait3A_483 = arith.constant 0 : i32
    %dma_wait3A_484 = arith.constant 0 : i32
    %dma_wait3A_485 = tpu.memref_slice %arg4[%add3A, %dma_wait3A_482, %dma_wait3A_475, %dma_wait3A_483, %dma_wait3A_476, %dma_wait3A_484] : memref<32x48x4x28x4x28xf32, #tpu.memory_space<hbm>> -> memref<1x48x1x28x1x28xf32, #tpu.memory_space<hbm>>
    %dma_wait3A_486 = tpu.memref_squeeze %dma_wait3A_485 : memref<1x48x1x28x1x28xf32, #tpu.memory_space<hbm>> -> memref<48x28x28xf32, #tpu.memory_space<hbm>>
    tpu.wait_dma2 semaphore(%arg10 : memref<!tpu.dma_semaphore, #tpu.memory_space<semaphore_mem>>) src(%arg6 : memref<48x28x28xf32, #tpu.memory_space<vmem>>) dst(%dma_wait3A_486 : memref<48x28x28xf32, #tpu.memory_space<hbm>>)
    %dma_wait3A_487 = arith.constant 2 : i32
    %dma_wait3A_488 = arith.constant 1 : i32
    %dma_wait3A_489 = arith.constant 0 : i32
    %dma_wait3A_490 = arith.constant 0 : i32
    %dma_wait3A_491 = arith.constant 0 : i32
    %dma_wait3A_492 = tpu.memref_slice %arg4[%add3A, %dma_wait3A_489, %dma_wait3A_487, %dma_wait3A_490, %dma_wait3A_488, %dma_wait3A_491] : memref<32x48x4x28x4x28xf32, #tpu.memory_space<hbm>> -> memref<1x48x1x28x1x28xf32, #tpu.memory_space<hbm>>
    %dma_wait3A_493 = tpu.memref_squeeze %dma_wait3A_492 : memref<1x48x1x28x1x28xf32, #tpu.memory_space<hbm>> -> memref<48x28x28xf32, #tpu.memory_space<hbm>>
    %dma_wait3A_494 = arith.constant 0 : i32
    %dma_wait3A_495 = arith.constant 0 : i32
    %dma_wait3A_496 = arith.constant 0 : i32
    %dma_wait3A_497 = tpu.memref_slice %arg4[%add3A, %dma_wait3A_494, %dma_wait3A_487, %dma_wait3A_495, %dma_wait3A_488, %dma_wait3A_496] : memref<32x48x4x28x4x28xf32, #tpu.memory_space<hbm>> -> memref<1x48x1x28x1x28xf32, #tpu.memory_space<hbm>>
    %dma_wait3A_498 = tpu.memref_squeeze %dma_wait3A_497 : memref<1x48x1x28x1x28xf32, #tpu.memory_space<hbm>> -> memref<48x28x28xf32, #tpu.memory_space<hbm>>
    tpu.wait_dma2 semaphore(%arg11 : memref<!tpu.dma_semaphore, #tpu.memory_space<semaphore_mem>>) src(%arg7 : memref<48x28x28xf32, #tpu.memory_space<vmem>>) dst(%dma_wait3A_498 : memref<48x28x28xf32, #tpu.memory_space<hbm>>)
    %slice3A_499 = vector.extract_strided_slice %get3A_2 {offsets = [10], sizes = [1], strides = [1]} : vector<16xi32> to vector<1xi32>
    %squeeze3A_500 = vector.extract %slice3A_499[0] : i32 from vector<1xi32>
    %dma_start3A_501 = arith.constant 2 : i32
    %dma_start3A_502 = arith.constant 2 : i32
    %dma_start3A_503 = arith.constant 0 : i32
    %dma_start3A_504 = arith.constant 0 : i32
    %dma_start3A_505 = arith.constant 0 : i32
    %dma_start3A_506 = tpu.memref_slice %arg2[%squeeze3A_500, %dma_start3A_503, %dma_start3A_501, %dma_start3A_504, %dma_start3A_502, %dma_start3A_505] : memref<32x48x4x28x4x28xf32, #tpu.memory_space<hbm>> -> memref<1x48x1x28x1x28xf32, #tpu.memory_space<hbm>>
    %dma_start3A_507 = tpu.memref_squeeze %dma_start3A_506 : memref<1x48x1x28x1x28xf32, #tpu.memory_space<hbm>> -> memref<48x28x28xf32, #tpu.memory_space<hbm>>
    %dma_start3A_508 = arith.constant 0 : i32
    %dma_start3A_509 = arith.constant 0 : i32
    %dma_start3A_510 = arith.constant 0 : i32
    %dma_start3A_511 = tpu.memref_slice %arg2[%squeeze3A_500, %dma_start3A_508, %dma_start3A_501, %dma_start3A_509, %dma_start3A_502, %dma_start3A_510] : memref<32x48x4x28x4x28xf32, #tpu.memory_space<hbm>> -> memref<1x48x1x28x1x28xf32, #tpu.memory_space<hbm>>
    %dma_start3A_512 = tpu.memref_squeeze %dma_start3A_511 : memref<1x48x1x28x1x28xf32, #tpu.memory_space<hbm>> -> memref<48x28x28xf32, #tpu.memory_space<hbm>>
    tpu.enqueue_dma source(%dma_start3A_512 : memref<48x28x28xf32, #tpu.memory_space<hbm>>) target(%arg6 : memref<48x28x28xf32, #tpu.memory_space<vmem>>) target_semaphore(%arg8 : memref<!tpu.dma_semaphore, #tpu.memory_space<semaphore_mem>>)
    %dma_wait3A_513 = arith.constant 2 : i32
    %dma_wait3A_514 = arith.constant 2 : i32
    %dma_wait3A_515 = arith.constant 0 : i32
    %dma_wait3A_516 = arith.constant 0 : i32
    %dma_wait3A_517 = arith.constant 0 : i32
    %dma_wait3A_518 = tpu.memref_slice %arg2[%squeeze3A_500, %dma_wait3A_515, %dma_wait3A_513, %dma_wait3A_516, %dma_wait3A_514, %dma_wait3A_517] : memref<32x48x4x28x4x28xf32, #tpu.memory_space<hbm>> -> memref<1x48x1x28x1x28xf32, #tpu.memory_space<hbm>>
    %dma_wait3A_519 = tpu.memref_squeeze %dma_wait3A_518 : memref<1x48x1x28x1x28xf32, #tpu.memory_space<hbm>> -> memref<48x28x28xf32, #tpu.memory_space<hbm>>
    %dma_wait3A_520 = arith.constant 0 : i32
    %dma_wait3A_521 = arith.constant 0 : i32
    %dma_wait3A_522 = arith.constant 0 : i32
    %dma_wait3A_523 = tpu.memref_slice %arg2[%squeeze3A_500, %dma_wait3A_520, %dma_wait3A_513, %dma_wait3A_521, %dma_wait3A_514, %dma_wait3A_522] : memref<32x48x4x28x4x28xf32, #tpu.memory_space<hbm>> -> memref<1x48x1x28x1x28xf32, #tpu.memory_space<hbm>>
    %dma_wait3A_524 = tpu.memref_squeeze %dma_wait3A_523 : memref<1x48x1x28x1x28xf32, #tpu.memory_space<hbm>> -> memref<48x28x28xf32, #tpu.memory_space<hbm>>
    tpu.wait_dma2 semaphore(%arg8 : memref<!tpu.dma_semaphore, #tpu.memory_space<semaphore_mem>>) src(%dma_wait3A_524 : memref<48x28x28xf32, #tpu.memory_space<hbm>>) dst(%arg6 : memref<48x28x28xf32, #tpu.memory_space<vmem>>)
    %dma_start3A_525 = arith.constant 2 : i32
    %dma_start3A_526 = arith.constant 2 : i32
    %dma_start3A_527 = arith.constant 0 : i32
    %dma_start3A_528 = arith.constant 0 : i32
    %dma_start3A_529 = arith.constant 0 : i32
    %dma_start3A_530 = tpu.memref_slice %arg4[%add3A, %dma_start3A_527, %dma_start3A_525, %dma_start3A_528, %dma_start3A_526, %dma_start3A_529] : memref<32x48x4x28x4x28xf32, #tpu.memory_space<hbm>> -> memref<1x48x1x28x1x28xf32, #tpu.memory_space<hbm>>
    %dma_start3A_531 = tpu.memref_squeeze %dma_start3A_530 : memref<1x48x1x28x1x28xf32, #tpu.memory_space<hbm>> -> memref<48x28x28xf32, #tpu.memory_space<hbm>>
    %dma_start3A_532 = arith.constant 0 : i32
    %dma_start3A_533 = arith.constant 0 : i32
    %dma_start3A_534 = arith.constant 0 : i32
    %dma_start3A_535 = tpu.memref_slice %arg4[%add3A, %dma_start3A_532, %dma_start3A_525, %dma_start3A_533, %dma_start3A_526, %dma_start3A_534] : memref<32x48x4x28x4x28xf32, #tpu.memory_space<hbm>> -> memref<1x48x1x28x1x28xf32, #tpu.memory_space<hbm>>
    %dma_start3A_536 = tpu.memref_squeeze %dma_start3A_535 : memref<1x48x1x28x1x28xf32, #tpu.memory_space<hbm>> -> memref<48x28x28xf32, #tpu.memory_space<hbm>>
    tpu.enqueue_dma source(%arg6 : memref<48x28x28xf32, #tpu.memory_space<vmem>>) target(%dma_start3A_536 : memref<48x28x28xf32, #tpu.memory_space<hbm>>) target_semaphore(%arg10 : memref<!tpu.dma_semaphore, #tpu.memory_space<semaphore_mem>>)
    %slice3A_537 = vector.extract_strided_slice %get3A_2 {offsets = [11], sizes = [1], strides = [1]} : vector<16xi32> to vector<1xi32>
    %squeeze3A_538 = vector.extract %slice3A_537[0] : i32 from vector<1xi32>
    %dma_start3A_539 = arith.constant 2 : i32
    %dma_start3A_540 = arith.constant 3 : i32
    %dma_start3A_541 = arith.constant 0 : i32
    %dma_start3A_542 = arith.constant 0 : i32
    %dma_start3A_543 = arith.constant 0 : i32
    %dma_start3A_544 = tpu.memref_slice %arg2[%squeeze3A_538, %dma_start3A_541, %dma_start3A_539, %dma_start3A_542, %dma_start3A_540, %dma_start3A_543] : memref<32x48x4x28x4x28xf32, #tpu.memory_space<hbm>> -> memref<1x48x1x28x1x28xf32, #tpu.memory_space<hbm>>
    %dma_start3A_545 = tpu.memref_squeeze %dma_start3A_544 : memref<1x48x1x28x1x28xf32, #tpu.memory_space<hbm>> -> memref<48x28x28xf32, #tpu.memory_space<hbm>>
    %dma_start3A_546 = arith.constant 0 : i32
    %dma_start3A_547 = arith.constant 0 : i32
    %dma_start3A_548 = arith.constant 0 : i32
    %dma_start3A_549 = tpu.memref_slice %arg2[%squeeze3A_538, %dma_start3A_546, %dma_start3A_539, %dma_start3A_547, %dma_start3A_540, %dma_start3A_548] : memref<32x48x4x28x4x28xf32, #tpu.memory_space<hbm>> -> memref<1x48x1x28x1x28xf32, #tpu.memory_space<hbm>>
    %dma_start3A_550 = tpu.memref_squeeze %dma_start3A_549 : memref<1x48x1x28x1x28xf32, #tpu.memory_space<hbm>> -> memref<48x28x28xf32, #tpu.memory_space<hbm>>
    tpu.enqueue_dma source(%dma_start3A_550 : memref<48x28x28xf32, #tpu.memory_space<hbm>>) target(%arg7 : memref<48x28x28xf32, #tpu.memory_space<vmem>>) target_semaphore(%arg9 : memref<!tpu.dma_semaphore, #tpu.memory_space<semaphore_mem>>)
    %dma_wait3A_551 = arith.constant 2 : i32
    %dma_wait3A_552 = arith.constant 3 : i32
    %dma_wait3A_553 = arith.constant 0 : i32
    %dma_wait3A_554 = arith.constant 0 : i32
    %dma_wait3A_555 = arith.constant 0 : i32
    %dma_wait3A_556 = tpu.memref_slice %arg2[%squeeze3A_538, %dma_wait3A_553, %dma_wait3A_551, %dma_wait3A_554, %dma_wait3A_552, %dma_wait3A_555] : memref<32x48x4x28x4x28xf32, #tpu.memory_space<hbm>> -> memref<1x48x1x28x1x28xf32, #tpu.memory_space<hbm>>
    %dma_wait3A_557 = tpu.memref_squeeze %dma_wait3A_556 : memref<1x48x1x28x1x28xf32, #tpu.memory_space<hbm>> -> memref<48x28x28xf32, #tpu.memory_space<hbm>>
    %dma_wait3A_558 = arith.constant 0 : i32
    %dma_wait3A_559 = arith.constant 0 : i32
    %dma_wait3A_560 = arith.constant 0 : i32
    %dma_wait3A_561 = tpu.memref_slice %arg2[%squeeze3A_538, %dma_wait3A_558, %dma_wait3A_551, %dma_wait3A_559, %dma_wait3A_552, %dma_wait3A_560] : memref<32x48x4x28x4x28xf32, #tpu.memory_space<hbm>> -> memref<1x48x1x28x1x28xf32, #tpu.memory_space<hbm>>
    %dma_wait3A_562 = tpu.memref_squeeze %dma_wait3A_561 : memref<1x48x1x28x1x28xf32, #tpu.memory_space<hbm>> -> memref<48x28x28xf32, #tpu.memory_space<hbm>>
    tpu.wait_dma2 semaphore(%arg9 : memref<!tpu.dma_semaphore, #tpu.memory_space<semaphore_mem>>) src(%dma_wait3A_562 : memref<48x28x28xf32, #tpu.memory_space<hbm>>) dst(%arg7 : memref<48x28x28xf32, #tpu.memory_space<vmem>>)
    %dma_start3A_563 = arith.constant 2 : i32
    %dma_start3A_564 = arith.constant 3 : i32
    %dma_start3A_565 = arith.constant 0 : i32
    %dma_start3A_566 = arith.constant 0 : i32
    %dma_start3A_567 = arith.constant 0 : i32
    %dma_start3A_568 = tpu.memref_slice %arg4[%add3A, %dma_start3A_565, %dma_start3A_563, %dma_start3A_566, %dma_start3A_564, %dma_start3A_567] : memref<32x48x4x28x4x28xf32, #tpu.memory_space<hbm>> -> memref<1x48x1x28x1x28xf32, #tpu.memory_space<hbm>>
    %dma_start3A_569 = tpu.memref_squeeze %dma_start3A_568 : memref<1x48x1x28x1x28xf32, #tpu.memory_space<hbm>> -> memref<48x28x28xf32, #tpu.memory_space<hbm>>
    %dma_start3A_570 = arith.constant 0 : i32
    %dma_start3A_571 = arith.constant 0 : i32
    %dma_start3A_572 = arith.constant 0 : i32
    %dma_start3A_573 = tpu.memref_slice %arg4[%add3A, %dma_start3A_570, %dma_start3A_563, %dma_start3A_571, %dma_start3A_564, %dma_start3A_572] : memref<32x48x4x28x4x28xf32, #tpu.memory_space<hbm>> -> memref<1x48x1x28x1x28xf32, #tpu.memory_space<hbm>>
    %dma_start3A_574 = tpu.memref_squeeze %dma_start3A_573 : memref<1x48x1x28x1x28xf32, #tpu.memory_space<hbm>> -> memref<48x28x28xf32, #tpu.memory_space<hbm>>
    tpu.enqueue_dma source(%arg7 : memref<48x28x28xf32, #tpu.memory_space<vmem>>) target(%dma_start3A_574 : memref<48x28x28xf32, #tpu.memory_space<hbm>>) target_semaphore(%arg11 : memref<!tpu.dma_semaphore, #tpu.memory_space<semaphore_mem>>)
    %dma_wait3A_575 = arith.constant 2 : i32
    %dma_wait3A_576 = arith.constant 2 : i32
    %dma_wait3A_577 = arith.constant 0 : i32
    %dma_wait3A_578 = arith.constant 0 : i32
    %dma_wait3A_579 = arith.constant 0 : i32
    %dma_wait3A_580 = tpu.memref_slice %arg4[%add3A, %dma_wait3A_577, %dma_wait3A_575, %dma_wait3A_578, %dma_wait3A_576, %dma_wait3A_579] : memref<32x48x4x28x4x28xf32, #tpu.memory_space<hbm>> -> memref<1x48x1x28x1x28xf32, #tpu.memory_space<hbm>>
    %dma_wait3A_581 = tpu.memref_squeeze %dma_wait3A_580 : memref<1x48x1x28x1x28xf32, #tpu.memory_space<hbm>> -> memref<48x28x28xf32, #tpu.memory_space<hbm>>
    %dma_wait3A_582 = arith.constant 0 : i32
    %dma_wait3A_583 = arith.constant 0 : i32
    %dma_wait3A_584 = arith.constant 0 : i32
    %dma_wait3A_585 = tpu.memref_slice %arg4[%add3A, %dma_wait3A_582, %dma_wait3A_575, %dma_wait3A_583, %dma_wait3A_576, %dma_wait3A_584] : memref<32x48x4x28x4x28xf32, #tpu.memory_space<hbm>> -> memref<1x48x1x28x1x28xf32, #tpu.memory_space<hbm>>
    %dma_wait3A_586 = tpu.memref_squeeze %dma_wait3A_585 : memref<1x48x1x28x1x28xf32, #tpu.memory_space<hbm>> -> memref<48x28x28xf32, #tpu.memory_space<hbm>>
    tpu.wait_dma2 semaphore(%arg10 : memref<!tpu.dma_semaphore, #tpu.memory_space<semaphore_mem>>) src(%arg6 : memref<48x28x28xf32, #tpu.memory_space<vmem>>) dst(%dma_wait3A_586 : memref<48x28x28xf32, #tpu.memory_space<hbm>>)
    %dma_wait3A_587 = arith.constant 2 : i32
    %dma_wait3A_588 = arith.constant 3 : i32
    %dma_wait3A_589 = arith.constant 0 : i32
    %dma_wait3A_590 = arith.constant 0 : i32
    %dma_wait3A_591 = arith.constant 0 : i32
    %dma_wait3A_592 = tpu.memref_slice %arg4[%add3A, %dma_wait3A_589, %dma_wait3A_587, %dma_wait3A_590, %dma_wait3A_588, %dma_wait3A_591] : memref<32x48x4x28x4x28xf32, #tpu.memory_space<hbm>> -> memref<1x48x1x28x1x28xf32, #tpu.memory_space<hbm>>
    %dma_wait3A_593 = tpu.memref_squeeze %dma_wait3A_592 : memref<1x48x1x28x1x28xf32, #tpu.memory_space<hbm>> -> memref<48x28x28xf32, #tpu.memory_space<hbm>>
    %dma_wait3A_594 = arith.constant 0 : i32
    %dma_wait3A_595 = arith.constant 0 : i32
    %dma_wait3A_596 = arith.constant 0 : i32
    %dma_wait3A_597 = tpu.memref_slice %arg4[%add3A, %dma_wait3A_594, %dma_wait3A_587, %dma_wait3A_595, %dma_wait3A_588, %dma_wait3A_596] : memref<32x48x4x28x4x28xf32, #tpu.memory_space<hbm>> -> memref<1x48x1x28x1x28xf32, #tpu.memory_space<hbm>>
    %dma_wait3A_598 = tpu.memref_squeeze %dma_wait3A_597 : memref<1x48x1x28x1x28xf32, #tpu.memory_space<hbm>> -> memref<48x28x28xf32, #tpu.memory_space<hbm>>
    tpu.wait_dma2 semaphore(%arg11 : memref<!tpu.dma_semaphore, #tpu.memory_space<semaphore_mem>>) src(%arg7 : memref<48x28x28xf32, #tpu.memory_space<vmem>>) dst(%dma_wait3A_598 : memref<48x28x28xf32, #tpu.memory_space<hbm>>)
    %slice3A_599 = vector.extract_strided_slice %get3A_2 {offsets = [12], sizes = [1], strides = [1]} : vector<16xi32> to vector<1xi32>
    %squeeze3A_600 = vector.extract %slice3A_599[0] : i32 from vector<1xi32>
    %dma_start3A_601 = arith.constant 3 : i32
    %dma_start3A_602 = arith.constant 0 : i32
    %dma_start3A_603 = arith.constant 0 : i32
    %dma_start3A_604 = arith.constant 0 : i32
    %dma_start3A_605 = arith.constant 0 : i32
    %dma_start3A_606 = tpu.memref_slice %arg2[%squeeze3A_600, %dma_start3A_603, %dma_start3A_601, %dma_start3A_604, %dma_start3A_602, %dma_start3A_605] : memref<32x48x4x28x4x28xf32, #tpu.memory_space<hbm>> -> memref<1x48x1x28x1x28xf32, #tpu.memory_space<hbm>>
    %dma_start3A_607 = tpu.memref_squeeze %dma_start3A_606 : memref<1x48x1x28x1x28xf32, #tpu.memory_space<hbm>> -> memref<48x28x28xf32, #tpu.memory_space<hbm>>
    %dma_start3A_608 = arith.constant 0 : i32
    %dma_start3A_609 = arith.constant 0 : i32
    %dma_start3A_610 = arith.constant 0 : i32
    %dma_start3A_611 = tpu.memref_slice %arg2[%squeeze3A_600, %dma_start3A_608, %dma_start3A_601, %dma_start3A_609, %dma_start3A_602, %dma_start3A_610] : memref<32x48x4x28x4x28xf32, #tpu.memory_space<hbm>> -> memref<1x48x1x28x1x28xf32, #tpu.memory_space<hbm>>
    %dma_start3A_612 = tpu.memref_squeeze %dma_start3A_611 : memref<1x48x1x28x1x28xf32, #tpu.memory_space<hbm>> -> memref<48x28x28xf32, #tpu.memory_space<hbm>>
    tpu.enqueue_dma source(%dma_start3A_612 : memref<48x28x28xf32, #tpu.memory_space<hbm>>) target(%arg6 : memref<48x28x28xf32, #tpu.memory_space<vmem>>) target_semaphore(%arg8 : memref<!tpu.dma_semaphore, #tpu.memory_space<semaphore_mem>>)
    %dma_wait3A_613 = arith.constant 3 : i32
    %dma_wait3A_614 = arith.constant 0 : i32
    %dma_wait3A_615 = arith.constant 0 : i32
    %dma_wait3A_616 = arith.constant 0 : i32
    %dma_wait3A_617 = arith.constant 0 : i32
    %dma_wait3A_618 = tpu.memref_slice %arg2[%squeeze3A_600, %dma_wait3A_615, %dma_wait3A_613, %dma_wait3A_616, %dma_wait3A_614, %dma_wait3A_617] : memref<32x48x4x28x4x28xf32, #tpu.memory_space<hbm>> -> memref<1x48x1x28x1x28xf32, #tpu.memory_space<hbm>>
    %dma_wait3A_619 = tpu.memref_squeeze %dma_wait3A_618 : memref<1x48x1x28x1x28xf32, #tpu.memory_space<hbm>> -> memref<48x28x28xf32, #tpu.memory_space<hbm>>
    %dma_wait3A_620 = arith.constant 0 : i32
    %dma_wait3A_621 = arith.constant 0 : i32
    %dma_wait3A_622 = arith.constant 0 : i32
    %dma_wait3A_623 = tpu.memref_slice %arg2[%squeeze3A_600, %dma_wait3A_620, %dma_wait3A_613, %dma_wait3A_621, %dma_wait3A_614, %dma_wait3A_622] : memref<32x48x4x28x4x28xf32, #tpu.memory_space<hbm>> -> memref<1x48x1x28x1x28xf32, #tpu.memory_space<hbm>>
    %dma_wait3A_624 = tpu.memref_squeeze %dma_wait3A_623 : memref<1x48x1x28x1x28xf32, #tpu.memory_space<hbm>> -> memref<48x28x28xf32, #tpu.memory_space<hbm>>
    tpu.wait_dma2 semaphore(%arg8 : memref<!tpu.dma_semaphore, #tpu.memory_space<semaphore_mem>>) src(%dma_wait3A_624 : memref<48x28x28xf32, #tpu.memory_space<hbm>>) dst(%arg6 : memref<48x28x28xf32, #tpu.memory_space<vmem>>)
    %dma_start3A_625 = arith.constant 3 : i32
    %dma_start3A_626 = arith.constant 0 : i32
    %dma_start3A_627 = arith.constant 0 : i32
    %dma_start3A_628 = arith.constant 0 : i32
    %dma_start3A_629 = arith.constant 0 : i32
    %dma_start3A_630 = tpu.memref_slice %arg4[%add3A, %dma_start3A_627, %dma_start3A_625, %dma_start3A_628, %dma_start3A_626, %dma_start3A_629] : memref<32x48x4x28x4x28xf32, #tpu.memory_space<hbm>> -> memref<1x48x1x28x1x28xf32, #tpu.memory_space<hbm>>
    %dma_start3A_631 = tpu.memref_squeeze %dma_start3A_630 : memref<1x48x1x28x1x28xf32, #tpu.memory_space<hbm>> -> memref<48x28x28xf32, #tpu.memory_space<hbm>>
    %dma_start3A_632 = arith.constant 0 : i32
    %dma_start3A_633 = arith.constant 0 : i32
    %dma_start3A_634 = arith.constant 0 : i32
    %dma_start3A_635 = tpu.memref_slice %arg4[%add3A, %dma_start3A_632, %dma_start3A_625, %dma_start3A_633, %dma_start3A_626, %dma_start3A_634] : memref<32x48x4x28x4x28xf32, #tpu.memory_space<hbm>> -> memref<1x48x1x28x1x28xf32, #tpu.memory_space<hbm>>
    %dma_start3A_636 = tpu.memref_squeeze %dma_start3A_635 : memref<1x48x1x28x1x28xf32, #tpu.memory_space<hbm>> -> memref<48x28x28xf32, #tpu.memory_space<hbm>>
    tpu.enqueue_dma source(%arg6 : memref<48x28x28xf32, #tpu.memory_space<vmem>>) target(%dma_start3A_636 : memref<48x28x28xf32, #tpu.memory_space<hbm>>) target_semaphore(%arg10 : memref<!tpu.dma_semaphore, #tpu.memory_space<semaphore_mem>>)
    %slice3A_637 = vector.extract_strided_slice %get3A_2 {offsets = [13], sizes = [1], strides = [1]} : vector<16xi32> to vector<1xi32>
    %squeeze3A_638 = vector.extract %slice3A_637[0] : i32 from vector<1xi32>
    %dma_start3A_639 = arith.constant 3 : i32
    %dma_start3A_640 = arith.constant 1 : i32
    %dma_start3A_641 = arith.constant 0 : i32
    %dma_start3A_642 = arith.constant 0 : i32
    %dma_start3A_643 = arith.constant 0 : i32
    %dma_start3A_644 = tpu.memref_slice %arg2[%squeeze3A_638, %dma_start3A_641, %dma_start3A_639, %dma_start3A_642, %dma_start3A_640, %dma_start3A_643] : memref<32x48x4x28x4x28xf32, #tpu.memory_space<hbm>> -> memref<1x48x1x28x1x28xf32, #tpu.memory_space<hbm>>
    %dma_start3A_645 = tpu.memref_squeeze %dma_start3A_644 : memref<1x48x1x28x1x28xf32, #tpu.memory_space<hbm>> -> memref<48x28x28xf32, #tpu.memory_space<hbm>>
    %dma_start3A_646 = arith.constant 0 : i32
    %dma_start3A_647 = arith.constant 0 : i32
    %dma_start3A_648 = arith.constant 0 : i32
    %dma_start3A_649 = tpu.memref_slice %arg2[%squeeze3A_638, %dma_start3A_646, %dma_start3A_639, %dma_start3A_647, %dma_start3A_640, %dma_start3A_648] : memref<32x48x4x28x4x28xf32, #tpu.memory_space<hbm>> -> memref<1x48x1x28x1x28xf32, #tpu.memory_space<hbm>>
    %dma_start3A_650 = tpu.memref_squeeze %dma_start3A_649 : memref<1x48x1x28x1x28xf32, #tpu.memory_space<hbm>> -> memref<48x28x28xf32, #tpu.memory_space<hbm>>
    tpu.enqueue_dma source(%dma_start3A_650 : memref<48x28x28xf32, #tpu.memory_space<hbm>>) target(%arg7 : memref<48x28x28xf32, #tpu.memory_space<vmem>>) target_semaphore(%arg9 : memref<!tpu.dma_semaphore, #tpu.memory_space<semaphore_mem>>)
    %dma_wait3A_651 = arith.constant 3 : i32
    %dma_wait3A_652 = arith.constant 1 : i32
    %dma_wait3A_653 = arith.constant 0 : i32
    %dma_wait3A_654 = arith.constant 0 : i32
    %dma_wait3A_655 = arith.constant 0 : i32
    %dma_wait3A_656 = tpu.memref_slice %arg2[%squeeze3A_638, %dma_wait3A_653, %dma_wait3A_651, %dma_wait3A_654, %dma_wait3A_652, %dma_wait3A_655] : memref<32x48x4x28x4x28xf32, #tpu.memory_space<hbm>> -> memref<1x48x1x28x1x28xf32, #tpu.memory_space<hbm>>
    %dma_wait3A_657 = tpu.memref_squeeze %dma_wait3A_656 : memref<1x48x1x28x1x28xf32, #tpu.memory_space<hbm>> -> memref<48x28x28xf32, #tpu.memory_space<hbm>>
    %dma_wait3A_658 = arith.constant 0 : i32
    %dma_wait3A_659 = arith.constant 0 : i32
    %dma_wait3A_660 = arith.constant 0 : i32
    %dma_wait3A_661 = tpu.memref_slice %arg2[%squeeze3A_638, %dma_wait3A_658, %dma_wait3A_651, %dma_wait3A_659, %dma_wait3A_652, %dma_wait3A_660] : memref<32x48x4x28x4x28xf32, #tpu.memory_space<hbm>> -> memref<1x48x1x28x1x28xf32, #tpu.memory_space<hbm>>
    %dma_wait3A_662 = tpu.memref_squeeze %dma_wait3A_661 : memref<1x48x1x28x1x28xf32, #tpu.memory_space<hbm>> -> memref<48x28x28xf32, #tpu.memory_space<hbm>>
    tpu.wait_dma2 semaphore(%arg9 : memref<!tpu.dma_semaphore, #tpu.memory_space<semaphore_mem>>) src(%dma_wait3A_662 : memref<48x28x28xf32, #tpu.memory_space<hbm>>) dst(%arg7 : memref<48x28x28xf32, #tpu.memory_space<vmem>>)
    %dma_start3A_663 = arith.constant 3 : i32
    %dma_start3A_664 = arith.constant 1 : i32
    %dma_start3A_665 = arith.constant 0 : i32
    %dma_start3A_666 = arith.constant 0 : i32
    %dma_start3A_667 = arith.constant 0 : i32
    %dma_start3A_668 = tpu.memref_slice %arg4[%add3A, %dma_start3A_665, %dma_start3A_663, %dma_start3A_666, %dma_start3A_664, %dma_start3A_667] : memref<32x48x4x28x4x28xf32, #tpu.memory_space<hbm>> -> memref<1x48x1x28x1x28xf32, #tpu.memory_space<hbm>>
    %dma_start3A_669 = tpu.memref_squeeze %dma_start3A_668 : memref<1x48x1x28x1x28xf32, #tpu.memory_space<hbm>> -> memref<48x28x28xf32, #tpu.memory_space<hbm>>
    %dma_start3A_670 = arith.constant 0 : i32
    %dma_start3A_671 = arith.constant 0 : i32
    %dma_start3A_672 = arith.constant 0 : i32
    %dma_start3A_673 = tpu.memref_slice %arg4[%add3A, %dma_start3A_670, %dma_start3A_663, %dma_start3A_671, %dma_start3A_664, %dma_start3A_672] : memref<32x48x4x28x4x28xf32, #tpu.memory_space<hbm>> -> memref<1x48x1x28x1x28xf32, #tpu.memory_space<hbm>>
    %dma_start3A_674 = tpu.memref_squeeze %dma_start3A_673 : memref<1x48x1x28x1x28xf32, #tpu.memory_space<hbm>> -> memref<48x28x28xf32, #tpu.memory_space<hbm>>
    tpu.enqueue_dma source(%arg7 : memref<48x28x28xf32, #tpu.memory_space<vmem>>) target(%dma_start3A_674 : memref<48x28x28xf32, #tpu.memory_space<hbm>>) target_semaphore(%arg11 : memref<!tpu.dma_semaphore, #tpu.memory_space<semaphore_mem>>)
    %dma_wait3A_675 = arith.constant 3 : i32
    %dma_wait3A_676 = arith.constant 0 : i32
    %dma_wait3A_677 = arith.constant 0 : i32
    %dma_wait3A_678 = arith.constant 0 : i32
    %dma_wait3A_679 = arith.constant 0 : i32
    %dma_wait3A_680 = tpu.memref_slice %arg4[%add3A, %dma_wait3A_677, %dma_wait3A_675, %dma_wait3A_678, %dma_wait3A_676, %dma_wait3A_679] : memref<32x48x4x28x4x28xf32, #tpu.memory_space<hbm>> -> memref<1x48x1x28x1x28xf32, #tpu.memory_space<hbm>>
    %dma_wait3A_681 = tpu.memref_squeeze %dma_wait3A_680 : memref<1x48x1x28x1x28xf32, #tpu.memory_space<hbm>> -> memref<48x28x28xf32, #tpu.memory_space<hbm>>
    %dma_wait3A_682 = arith.constant 0 : i32
    %dma_wait3A_683 = arith.constant 0 : i32
    %dma_wait3A_684 = arith.constant 0 : i32
    %dma_wait3A_685 = tpu.memref_slice %arg4[%add3A, %dma_wait3A_682, %dma_wait3A_675, %dma_wait3A_683, %dma_wait3A_676, %dma_wait3A_684] : memref<32x48x4x28x4x28xf32, #tpu.memory_space<hbm>> -> memref<1x48x1x28x1x28xf32, #tpu.memory_space<hbm>>
    %dma_wait3A_686 = tpu.memref_squeeze %dma_wait3A_685 : memref<1x48x1x28x1x28xf32, #tpu.memory_space<hbm>> -> memref<48x28x28xf32, #tpu.memory_space<hbm>>
    tpu.wait_dma2 semaphore(%arg10 : memref<!tpu.dma_semaphore, #tpu.memory_space<semaphore_mem>>) src(%arg6 : memref<48x28x28xf32, #tpu.memory_space<vmem>>) dst(%dma_wait3A_686 : memref<48x28x28xf32, #tpu.memory_space<hbm>>)
    %dma_wait3A_687 = arith.constant 3 : i32
    %dma_wait3A_688 = arith.constant 1 : i32
    %dma_wait3A_689 = arith.constant 0 : i32
    %dma_wait3A_690 = arith.constant 0 : i32
    %dma_wait3A_691 = arith.constant 0 : i32
    %dma_wait3A_692 = tpu.memref_slice %arg4[%add3A, %dma_wait3A_689, %dma_wait3A_687, %dma_wait3A_690, %dma_wait3A_688, %dma_wait3A_691] : memref<32x48x4x28x4x28xf32, #tpu.memory_space<hbm>> -> memref<1x48x1x28x1x28xf32, #tpu.memory_space<hbm>>
    %dma_wait3A_693 = tpu.memref_squeeze %dma_wait3A_692 : memref<1x48x1x28x1x28xf32, #tpu.memory_space<hbm>> -> memref<48x28x28xf32, #tpu.memory_space<hbm>>
    %dma_wait3A_694 = arith.constant 0 : i32
    %dma_wait3A_695 = arith.constant 0 : i32
    %dma_wait3A_696 = arith.constant 0 : i32
    %dma_wait3A_697 = tpu.memref_slice %arg4[%add3A, %dma_wait3A_694, %dma_wait3A_687, %dma_wait3A_695, %dma_wait3A_688, %dma_wait3A_696] : memref<32x48x4x28x4x28xf32, #tpu.memory_space<hbm>> -> memref<1x48x1x28x1x28xf32, #tpu.memory_space<hbm>>
    %dma_wait3A_698 = tpu.memref_squeeze %dma_wait3A_697 : memref<1x48x1x28x1x28xf32, #tpu.memory_space<hbm>> -> memref<48x28x28xf32, #tpu.memory_space<hbm>>
    tpu.wait_dma2 semaphore(%arg11 : memref<!tpu.dma_semaphore, #tpu.memory_space<semaphore_mem>>) src(%arg7 : memref<48x28x28xf32, #tpu.memory_space<vmem>>) dst(%dma_wait3A_698 : memref<48x28x28xf32, #tpu.memory_space<hbm>>)
    %slice3A_699 = vector.extract_strided_slice %get3A_2 {offsets = [14], sizes = [1], strides = [1]} : vector<16xi32> to vector<1xi32>
    %squeeze3A_700 = vector.extract %slice3A_699[0] : i32 from vector<1xi32>
    %dma_start3A_701 = arith.constant 3 : i32
    %dma_start3A_702 = arith.constant 2 : i32
    %dma_start3A_703 = arith.constant 0 : i32
    %dma_start3A_704 = arith.constant 0 : i32
    %dma_start3A_705 = arith.constant 0 : i32
    %dma_start3A_706 = tpu.memref_slice %arg2[%squeeze3A_700, %dma_start3A_703, %dma_start3A_701, %dma_start3A_704, %dma_start3A_702, %dma_start3A_705] : memref<32x48x4x28x4x28xf32, #tpu.memory_space<hbm>> -> memref<1x48x1x28x1x28xf32, #tpu.memory_space<hbm>>
    %dma_start3A_707 = tpu.memref_squeeze %dma_start3A_706 : memref<1x48x1x28x1x28xf32, #tpu.memory_space<hbm>> -> memref<48x28x28xf32, #tpu.memory_space<hbm>>
    %dma_start3A_708 = arith.constant 0 : i32
    %dma_start3A_709 = arith.constant 0 : i32
    %dma_start3A_710 = arith.constant 0 : i32
    %dma_start3A_711 = tpu.memref_slice %arg2[%squeeze3A_700, %dma_start3A_708, %dma_start3A_701, %dma_start3A_709, %dma_start3A_702, %dma_start3A_710] : memref<32x48x4x28x4x28xf32, #tpu.memory_space<hbm>> -> memref<1x48x1x28x1x28xf32, #tpu.memory_space<hbm>>
    %dma_start3A_712 = tpu.memref_squeeze %dma_start3A_711 : memref<1x48x1x28x1x28xf32, #tpu.memory_space<hbm>> -> memref<48x28x28xf32, #tpu.memory_space<hbm>>
    tpu.enqueue_dma source(%dma_start3A_712 : memref<48x28x28xf32, #tpu.memory_space<hbm>>) target(%arg6 : memref<48x28x28xf32, #tpu.memory_space<vmem>>) target_semaphore(%arg8 : memref<!tpu.dma_semaphore, #tpu.memory_space<semaphore_mem>>)
    %dma_wait3A_713 = arith.constant 3 : i32
    %dma_wait3A_714 = arith.constant 2 : i32
    %dma_wait3A_715 = arith.constant 0 : i32
    %dma_wait3A_716 = arith.constant 0 : i32
    %dma_wait3A_717 = arith.constant 0 : i32
    %dma_wait3A_718 = tpu.memref_slice %arg2[%squeeze3A_700, %dma_wait3A_715, %dma_wait3A_713, %dma_wait3A_716, %dma_wait3A_714, %dma_wait3A_717] : memref<32x48x4x28x4x28xf32, #tpu.memory_space<hbm>> -> memref<1x48x1x28x1x28xf32, #tpu.memory_space<hbm>>
    %dma_wait3A_719 = tpu.memref_squeeze %dma_wait3A_718 : memref<1x48x1x28x1x28xf32, #tpu.memory_space<hbm>> -> memref<48x28x28xf32, #tpu.memory_space<hbm>>
    %dma_wait3A_720 = arith.constant 0 : i32
    %dma_wait3A_721 = arith.constant 0 : i32
    %dma_wait3A_722 = arith.constant 0 : i32
    %dma_wait3A_723 = tpu.memref_slice %arg2[%squeeze3A_700, %dma_wait3A_720, %dma_wait3A_713, %dma_wait3A_721, %dma_wait3A_714, %dma_wait3A_722] : memref<32x48x4x28x4x28xf32, #tpu.memory_space<hbm>> -> memref<1x48x1x28x1x28xf32, #tpu.memory_space<hbm>>
    %dma_wait3A_724 = tpu.memref_squeeze %dma_wait3A_723 : memref<1x48x1x28x1x28xf32, #tpu.memory_space<hbm>> -> memref<48x28x28xf32, #tpu.memory_space<hbm>>
    tpu.wait_dma2 semaphore(%arg8 : memref<!tpu.dma_semaphore, #tpu.memory_space<semaphore_mem>>) src(%dma_wait3A_724 : memref<48x28x28xf32, #tpu.memory_space<hbm>>) dst(%arg6 : memref<48x28x28xf32, #tpu.memory_space<vmem>>)
    %dma_start3A_725 = arith.constant 3 : i32
    %dma_start3A_726 = arith.constant 2 : i32
    %dma_start3A_727 = arith.constant 0 : i32
    %dma_start3A_728 = arith.constant 0 : i32
    %dma_start3A_729 = arith.constant 0 : i32
    %dma_start3A_730 = tpu.memref_slice %arg4[%add3A, %dma_start3A_727, %dma_start3A_725, %dma_start3A_728, %dma_start3A_726, %dma_start3A_729] : memref<32x48x4x28x4x28xf32, #tpu.memory_space<hbm>> -> memref<1x48x1x28x1x28xf32, #tpu.memory_space<hbm>>
    %dma_start3A_731 = tpu.memref_squeeze %dma_start3A_730 : memref<1x48x1x28x1x28xf32, #tpu.memory_space<hbm>> -> memref<48x28x28xf32, #tpu.memory_space<hbm>>
    %dma_start3A_732 = arith.constant 0 : i32
    %dma_start3A_733 = arith.constant 0 : i32
    %dma_start3A_734 = arith.constant 0 : i32
    %dma_start3A_735 = tpu.memref_slice %arg4[%add3A, %dma_start3A_732, %dma_start3A_725, %dma_start3A_733, %dma_start3A_726, %dma_start3A_734] : memref<32x48x4x28x4x28xf32, #tpu.memory_space<hbm>> -> memref<1x48x1x28x1x28xf32, #tpu.memory_space<hbm>>
    %dma_start3A_736 = tpu.memref_squeeze %dma_start3A_735 : memref<1x48x1x28x1x28xf32, #tpu.memory_space<hbm>> -> memref<48x28x28xf32, #tpu.memory_space<hbm>>
    tpu.enqueue_dma source(%arg6 : memref<48x28x28xf32, #tpu.memory_space<vmem>>) target(%dma_start3A_736 : memref<48x28x28xf32, #tpu.memory_space<hbm>>) target_semaphore(%arg10 : memref<!tpu.dma_semaphore, #tpu.memory_space<semaphore_mem>>)
    %slice3A_737 = vector.extract_strided_slice %get3A_2 {offsets = [15], sizes = [1], strides = [1]} : vector<16xi32> to vector<1xi32>
    %squeeze3A_738 = vector.extract %slice3A_737[0] : i32 from vector<1xi32>
    %dma_start3A_739 = arith.constant 3 : i32
    %dma_start3A_740 = arith.constant 3 : i32
    %dma_start3A_741 = arith.constant 0 : i32
    %dma_start3A_742 = arith.constant 0 : i32
    %dma_start3A_743 = arith.constant 0 : i32
    %dma_start3A_744 = tpu.memref_slice %arg2[%squeeze3A_738, %dma_start3A_741, %dma_start3A_739, %dma_start3A_742, %dma_start3A_740, %dma_start3A_743] : memref<32x48x4x28x4x28xf32, #tpu.memory_space<hbm>> -> memref<1x48x1x28x1x28xf32, #tpu.memory_space<hbm>>
    %dma_start3A_745 = tpu.memref_squeeze %dma_start3A_744 : memref<1x48x1x28x1x28xf32, #tpu.memory_space<hbm>> -> memref<48x28x28xf32, #tpu.memory_space<hbm>>
    %dma_start3A_746 = arith.constant 0 : i32
    %dma_start3A_747 = arith.constant 0 : i32
    %dma_start3A_748 = arith.constant 0 : i32
    %dma_start3A_749 = tpu.memref_slice %arg2[%squeeze3A_738, %dma_start3A_746, %dma_start3A_739, %dma_start3A_747, %dma_start3A_740, %dma_start3A_748] : memref<32x48x4x28x4x28xf32, #tpu.memory_space<hbm>> -> memref<1x48x1x28x1x28xf32, #tpu.memory_space<hbm>>
    %dma_start3A_750 = tpu.memref_squeeze %dma_start3A_749 : memref<1x48x1x28x1x28xf32, #tpu.memory_space<hbm>> -> memref<48x28x28xf32, #tpu.memory_space<hbm>>
    tpu.enqueue_dma source(%dma_start3A_750 : memref<48x28x28xf32, #tpu.memory_space<hbm>>) target(%arg7 : memref<48x28x28xf32, #tpu.memory_space<vmem>>) target_semaphore(%arg9 : memref<!tpu.dma_semaphore, #tpu.memory_space<semaphore_mem>>)
    %dma_wait3A_751 = arith.constant 3 : i32
    %dma_wait3A_752 = arith.constant 3 : i32
    %dma_wait3A_753 = arith.constant 0 : i32
    %dma_wait3A_754 = arith.constant 0 : i32
    %dma_wait3A_755 = arith.constant 0 : i32
    %dma_wait3A_756 = tpu.memref_slice %arg2[%squeeze3A_738, %dma_wait3A_753, %dma_wait3A_751, %dma_wait3A_754, %dma_wait3A_752, %dma_wait3A_755] : memref<32x48x4x28x4x28xf32, #tpu.memory_space<hbm>> -> memref<1x48x1x28x1x28xf32, #tpu.memory_space<hbm>>
    %dma_wait3A_757 = tpu.memref_squeeze %dma_wait3A_756 : memref<1x48x1x28x1x28xf32, #tpu.memory_space<hbm>> -> memref<48x28x28xf32, #tpu.memory_space<hbm>>
    %dma_wait3A_758 = arith.constant 0 : i32
    %dma_wait3A_759 = arith.constant 0 : i32
    %dma_wait3A_760 = arith.constant 0 : i32
    %dma_wait3A_761 = tpu.memref_slice %arg2[%squeeze3A_738, %dma_wait3A_758, %dma_wait3A_751, %dma_wait3A_759, %dma_wait3A_752, %dma_wait3A_760] : memref<32x48x4x28x4x28xf32, #tpu.memory_space<hbm>> -> memref<1x48x1x28x1x28xf32, #tpu.memory_space<hbm>>
    %dma_wait3A_762 = tpu.memref_squeeze %dma_wait3A_761 : memref<1x48x1x28x1x28xf32, #tpu.memory_space<hbm>> -> memref<48x28x28xf32, #tpu.memory_space<hbm>>
    tpu.wait_dma2 semaphore(%arg9 : memref<!tpu.dma_semaphore, #tpu.memory_space<semaphore_mem>>) src(%dma_wait3A_762 : memref<48x28x28xf32, #tpu.memory_space<hbm>>) dst(%arg7 : memref<48x28x28xf32, #tpu.memory_space<vmem>>)
    %dma_start3A_763 = arith.constant 3 : i32
    %dma_start3A_764 = arith.constant 3 : i32
    %dma_start3A_765 = arith.constant 0 : i32
    %dma_start3A_766 = arith.constant 0 : i32
    %dma_start3A_767 = arith.constant 0 : i32
    %dma_start3A_768 = tpu.memref_slice %arg4[%add3A, %dma_start3A_765, %dma_start3A_763, %dma_start3A_766, %dma_start3A_764, %dma_start3A_767] : memref<32x48x4x28x4x28xf32, #tpu.memory_space<hbm>> -> memref<1x48x1x28x1x28xf32, #tpu.memory_space<hbm>>
    %dma_start3A_769 = tpu.memref_squeeze %dma_start3A_768 : memref<1x48x1x28x1x28xf32, #tpu.memory_space<hbm>> -> memref<48x28x28xf32, #tpu.memory_space<hbm>>
    %dma_start3A_770 = arith.constant 0 : i32
    %dma_start3A_771 = arith.constant 0 : i32
    %dma_start3A_772 = arith.constant 0 : i32
    %dma_start3A_773 = tpu.memref_slice %arg4[%add3A, %dma_start3A_770, %dma_start3A_763, %dma_start3A_771, %dma_start3A_764, %dma_start3A_772] : memref<32x48x4x28x4x28xf32, #tpu.memory_space<hbm>> -> memref<1x48x1x28x1x28xf32, #tpu.memory_space<hbm>>
    %dma_start3A_774 = tpu.memref_squeeze %dma_start3A_773 : memref<1x48x1x28x1x28xf32, #tpu.memory_space<hbm>> -> memref<48x28x28xf32, #tpu.memory_space<hbm>>
    tpu.enqueue_dma source(%arg7 : memref<48x28x28xf32, #tpu.memory_space<vmem>>) target(%dma_start3A_774 : memref<48x28x28xf32, #tpu.memory_space<hbm>>) target_semaphore(%arg11 : memref<!tpu.dma_semaphore, #tpu.memory_space<semaphore_mem>>)
    %dma_wait3A_775 = arith.constant 3 : i32
    %dma_wait3A_776 = arith.constant 2 : i32
    %dma_wait3A_777 = arith.constant 0 : i32
    %dma_wait3A_778 = arith.constant 0 : i32
    %dma_wait3A_779 = arith.constant 0 : i32
    %dma_wait3A_780 = tpu.memref_slice %arg4[%add3A, %dma_wait3A_777, %dma_wait3A_775, %dma_wait3A_778, %dma_wait3A_776, %dma_wait3A_779] : memref<32x48x4x28x4x28xf32, #tpu.memory_space<hbm>> -> memref<1x48x1x28x1x28xf32, #tpu.memory_space<hbm>>
    %dma_wait3A_781 = tpu.memref_squeeze %dma_wait3A_780 : memref<1x48x1x28x1x28xf32, #tpu.memory_space<hbm>> -> memref<48x28x28xf32, #tpu.memory_space<hbm>>
    %dma_wait3A_782 = arith.constant 0 : i32
    %dma_wait3A_783 = arith.constant 0 : i32
    %dma_wait3A_784 = arith.constant 0 : i32
    %dma_wait3A_785 = tpu.memref_slice %arg4[%add3A, %dma_wait3A_782, %dma_wait3A_775, %dma_wait3A_783, %dma_wait3A_776, %dma_wait3A_784] : memref<32x48x4x28x4x28xf32, #tpu.memory_space<hbm>> -> memref<1x48x1x28x1x28xf32, #tpu.memory_space<hbm>>
    %dma_wait3A_786 = tpu.memref_squeeze %dma_wait3A_785 : memref<1x48x1x28x1x28xf32, #tpu.memory_space<hbm>> -> memref<48x28x28xf32, #tpu.memory_space<hbm>>
    tpu.wait_dma2 semaphore(%arg10 : memref<!tpu.dma_semaphore, #tpu.memory_space<semaphore_mem>>) src(%arg6 : memref<48x28x28xf32, #tpu.memory_space<vmem>>) dst(%dma_wait3A_786 : memref<48x28x28xf32, #tpu.memory_space<hbm>>)
    %dma_wait3A_787 = arith.constant 3 : i32
    %dma_wait3A_788 = arith.constant 3 : i32
    %dma_wait3A_789 = arith.constant 0 : i32
    %dma_wait3A_790 = arith.constant 0 : i32
    %dma_wait3A_791 = arith.constant 0 : i32
    %dma_wait3A_792 = tpu.memref_slice %arg4[%add3A, %dma_wait3A_789, %dma_wait3A_787, %dma_wait3A_790, %dma_wait3A_788, %dma_wait3A_791] : memref<32x48x4x28x4x28xf32, #tpu.memory_space<hbm>> -> memref<1x48x1x28x1x28xf32, #tpu.memory_space<hbm>>
    %dma_wait3A_793 = tpu.memref_squeeze %dma_wait3A_792 : memref<1x48x1x28x1x28xf32, #tpu.memory_space<hbm>> -> memref<48x28x28xf32, #tpu.memory_space<hbm>>
    %dma_wait3A_794 = arith.constant 0 : i32
    %dma_wait3A_795 = arith.constant 0 : i32
    %dma_wait3A_796 = arith.constant 0 : i32
    %dma_wait3A_797 = tpu.memref_slice %arg4[%add3A, %dma_wait3A_794, %dma_wait3A_787, %dma_wait3A_795, %dma_wait3A_788, %dma_wait3A_796] : memref<32x48x4x28x4x28xf32, #tpu.memory_space<hbm>> -> memref<1x48x1x28x1x28xf32, #tpu.memory_space<hbm>>
    %dma_wait3A_798 = tpu.memref_squeeze %dma_wait3A_797 : memref<1x48x1x28x1x28xf32, #tpu.memory_space<hbm>> -> memref<48x28x28xf32, #tpu.memory_space<hbm>>
    tpu.wait_dma2 semaphore(%arg11 : memref<!tpu.dma_semaphore, #tpu.memory_space<semaphore_mem>>) src(%arg7 : memref<48x28x28xf32, #tpu.memory_space<vmem>>) dst(%dma_wait3A_798 : memref<48x28x28xf32, #tpu.memory_space<hbm>>)
    return
  }
}

module attributes {stable_mosaic.version = 14 : i64} {
  func.func @_imdiff_body(%arg0: i32, %arg1: memref<1x48x112x112xf32, #tpu.memory_space<vmem>>, %arg2: memref<1x112x112xf32, #tpu.memory_space<vmem>>) attributes {dimension_semantics = [#tpu.dimension_semantics<arbitrary>], iteration_bounds = array<i64: 32>, scalar_prefetch = 0 : i64, scratch_operands = 0 : i64, tpu.core_type = #tpu.core_type<tc>, window_params = [{transform_indices = @transform_0, window_bounds = array<i64: 1, 48, 112, 112>}, {transform_indices = @transform_1, window_bounds = array<i64: 1, 112, 112>}]} {
    %get3A = arith.constant 0 : index
    %get3A_0 = arith.constant 0 : index
    %get3A_1 = arith.constant 0 : index
    %get3A_2 = arith.constant 0 : index
    %get3A_3 = vector.load %arg1[%get3A, %get3A_0, %get3A_1, %get3A_2] : memref<1x48x112x112xf32, #tpu.memory_space<vmem>>, vector<1x48x112x112xf32>
    %get3A_4 = vector.shape_cast %get3A_3 : vector<1x48x112x112xf32> to vector<48x112x112xf32>
    %slice3A = vector.extract_strided_slice %get3A_4 {offsets = [0, 0, 0], sizes = [1, 112, 112], strides = [1, 1, 1]} : vector<48x112x112xf32> to vector<1x112x112xf32>
    %squeeze3A = vector.shape_cast %slice3A : vector<1x112x112xf32> to vector<112x112xf32>
    %slice3A_5 = vector.extract_strided_slice %get3A_4 {offsets = [1, 0, 0], sizes = [1, 112, 112], strides = [1, 1, 1]} : vector<48x112x112xf32> to vector<1x112x112xf32>
    %squeeze3A_6 = vector.shape_cast %slice3A_5 : vector<1x112x112xf32> to vector<112x112xf32>
    %sub3A = arith.subf %squeeze3A, %squeeze3A_6 : vector<112x112xf32>
    %abs3A = math.absf %sub3A : vector<112x112xf32>
    %slice3A_7 = vector.extract_strided_slice %get3A_4 {offsets = [16, 0, 0], sizes = [1, 112, 112], strides = [1, 1, 1]} : vector<48x112x112xf32> to vector<1x112x112xf32>
    %squeeze3A_8 = vector.shape_cast %slice3A_7 : vector<1x112x112xf32> to vector<112x112xf32>
    %slice3A_9 = vector.extract_strided_slice %get3A_4 {offsets = [17, 0, 0], sizes = [1, 112, 112], strides = [1, 1, 1]} : vector<48x112x112xf32> to vector<1x112x112xf32>
    %squeeze3A_10 = vector.shape_cast %slice3A_9 : vector<1x112x112xf32> to vector<112x112xf32>
    %sub3A_11 = arith.subf %squeeze3A_8, %squeeze3A_10 : vector<112x112xf32>
    %abs3A_12 = math.absf %sub3A_11 : vector<112x112xf32>
    %add3A = arith.addf %abs3A, %abs3A_12 : vector<112x112xf32>
    %slice3A_13 = vector.extract_strided_slice %get3A_4 {offsets = [32, 0, 0], sizes = [1, 112, 112], strides = [1, 1, 1]} : vector<48x112x112xf32> to vector<1x112x112xf32>
    %squeeze3A_14 = vector.shape_cast %slice3A_13 : vector<1x112x112xf32> to vector<112x112xf32>
    %slice3A_15 = vector.extract_strided_slice %get3A_4 {offsets = [33, 0, 0], sizes = [1, 112, 112], strides = [1, 1, 1]} : vector<48x112x112xf32> to vector<1x112x112xf32>
    %squeeze3A_16 = vector.shape_cast %slice3A_15 : vector<1x112x112xf32> to vector<112x112xf32>
    %sub3A_17 = arith.subf %squeeze3A_14, %squeeze3A_16 : vector<112x112xf32>
    %abs3A_18 = math.absf %sub3A_17 : vector<112x112xf32>
    %add3A_19 = arith.addf %add3A, %abs3A_18 : vector<112x112xf32>
    %slice3A_20 = vector.extract_strided_slice %get3A_4 {offsets = [1, 0, 0], sizes = [1, 112, 112], strides = [1, 1, 1]} : vector<48x112x112xf32> to vector<1x112x112xf32>
    %squeeze3A_21 = vector.shape_cast %slice3A_20 : vector<1x112x112xf32> to vector<112x112xf32>
    %slice3A_22 = vector.extract_strided_slice %get3A_4 {offsets = [2, 0, 0], sizes = [1, 112, 112], strides = [1, 1, 1]} : vector<48x112x112xf32> to vector<1x112x112xf32>
    %squeeze3A_23 = vector.shape_cast %slice3A_22 : vector<1x112x112xf32> to vector<112x112xf32>
    %sub3A_24 = arith.subf %squeeze3A_21, %squeeze3A_23 : vector<112x112xf32>
    %abs3A_25 = math.absf %sub3A_24 : vector<112x112xf32>
    %slice3A_26 = vector.extract_strided_slice %get3A_4 {offsets = [17, 0, 0], sizes = [1, 112, 112], strides = [1, 1, 1]} : vector<48x112x112xf32> to vector<1x112x112xf32>
    %squeeze3A_27 = vector.shape_cast %slice3A_26 : vector<1x112x112xf32> to vector<112x112xf32>
    %slice3A_28 = vector.extract_strided_slice %get3A_4 {offsets = [18, 0, 0], sizes = [1, 112, 112], strides = [1, 1, 1]} : vector<48x112x112xf32> to vector<1x112x112xf32>
    %squeeze3A_29 = vector.shape_cast %slice3A_28 : vector<1x112x112xf32> to vector<112x112xf32>
    %sub3A_30 = arith.subf %squeeze3A_27, %squeeze3A_29 : vector<112x112xf32>
    %abs3A_31 = math.absf %sub3A_30 : vector<112x112xf32>
    %add3A_32 = arith.addf %abs3A_25, %abs3A_31 : vector<112x112xf32>
    %slice3A_33 = vector.extract_strided_slice %get3A_4 {offsets = [33, 0, 0], sizes = [1, 112, 112], strides = [1, 1, 1]} : vector<48x112x112xf32> to vector<1x112x112xf32>
    %squeeze3A_34 = vector.shape_cast %slice3A_33 : vector<1x112x112xf32> to vector<112x112xf32>
    %slice3A_35 = vector.extract_strided_slice %get3A_4 {offsets = [34, 0, 0], sizes = [1, 112, 112], strides = [1, 1, 1]} : vector<48x112x112xf32> to vector<1x112x112xf32>
    %squeeze3A_36 = vector.shape_cast %slice3A_35 : vector<1x112x112xf32> to vector<112x112xf32>
    %sub3A_37 = arith.subf %squeeze3A_34, %squeeze3A_36 : vector<112x112xf32>
    %abs3A_38 = math.absf %sub3A_37 : vector<112x112xf32>
    %add3A_39 = arith.addf %add3A_32, %abs3A_38 : vector<112x112xf32>
    %slice3A_40 = vector.extract_strided_slice %get3A_4 {offsets = [2, 0, 0], sizes = [1, 112, 112], strides = [1, 1, 1]} : vector<48x112x112xf32> to vector<1x112x112xf32>
    %squeeze3A_41 = vector.shape_cast %slice3A_40 : vector<1x112x112xf32> to vector<112x112xf32>
    %slice3A_42 = vector.extract_strided_slice %get3A_4 {offsets = [3, 0, 0], sizes = [1, 112, 112], strides = [1, 1, 1]} : vector<48x112x112xf32> to vector<1x112x112xf32>
    %squeeze3A_43 = vector.shape_cast %slice3A_42 : vector<1x112x112xf32> to vector<112x112xf32>
    %sub3A_44 = arith.subf %squeeze3A_41, %squeeze3A_43 : vector<112x112xf32>
    %abs3A_45 = math.absf %sub3A_44 : vector<112x112xf32>
    %slice3A_46 = vector.extract_strided_slice %get3A_4 {offsets = [18, 0, 0], sizes = [1, 112, 112], strides = [1, 1, 1]} : vector<48x112x112xf32> to vector<1x112x112xf32>
    %squeeze3A_47 = vector.shape_cast %slice3A_46 : vector<1x112x112xf32> to vector<112x112xf32>
    %slice3A_48 = vector.extract_strided_slice %get3A_4 {offsets = [19, 0, 0], sizes = [1, 112, 112], strides = [1, 1, 1]} : vector<48x112x112xf32> to vector<1x112x112xf32>
    %squeeze3A_49 = vector.shape_cast %slice3A_48 : vector<1x112x112xf32> to vector<112x112xf32>
    %sub3A_50 = arith.subf %squeeze3A_47, %squeeze3A_49 : vector<112x112xf32>
    %abs3A_51 = math.absf %sub3A_50 : vector<112x112xf32>
    %add3A_52 = arith.addf %abs3A_45, %abs3A_51 : vector<112x112xf32>
    %slice3A_53 = vector.extract_strided_slice %get3A_4 {offsets = [34, 0, 0], sizes = [1, 112, 112], strides = [1, 1, 1]} : vector<48x112x112xf32> to vector<1x112x112xf32>
    %squeeze3A_54 = vector.shape_cast %slice3A_53 : vector<1x112x112xf32> to vector<112x112xf32>
    %slice3A_55 = vector.extract_strided_slice %get3A_4 {offsets = [35, 0, 0], sizes = [1, 112, 112], strides = [1, 1, 1]} : vector<48x112x112xf32> to vector<1x112x112xf32>
    %squeeze3A_56 = vector.shape_cast %slice3A_55 : vector<1x112x112xf32> to vector<112x112xf32>
    %sub3A_57 = arith.subf %squeeze3A_54, %squeeze3A_56 : vector<112x112xf32>
    %abs3A_58 = math.absf %sub3A_57 : vector<112x112xf32>
    %add3A_59 = arith.addf %add3A_52, %abs3A_58 : vector<112x112xf32>
    %slice3A_60 = vector.extract_strided_slice %get3A_4 {offsets = [3, 0, 0], sizes = [1, 112, 112], strides = [1, 1, 1]} : vector<48x112x112xf32> to vector<1x112x112xf32>
    %squeeze3A_61 = vector.shape_cast %slice3A_60 : vector<1x112x112xf32> to vector<112x112xf32>
    %slice3A_62 = vector.extract_strided_slice %get3A_4 {offsets = [4, 0, 0], sizes = [1, 112, 112], strides = [1, 1, 1]} : vector<48x112x112xf32> to vector<1x112x112xf32>
    %squeeze3A_63 = vector.shape_cast %slice3A_62 : vector<1x112x112xf32> to vector<112x112xf32>
    %sub3A_64 = arith.subf %squeeze3A_61, %squeeze3A_63 : vector<112x112xf32>
    %abs3A_65 = math.absf %sub3A_64 : vector<112x112xf32>
    %slice3A_66 = vector.extract_strided_slice %get3A_4 {offsets = [19, 0, 0], sizes = [1, 112, 112], strides = [1, 1, 1]} : vector<48x112x112xf32> to vector<1x112x112xf32>
    %squeeze3A_67 = vector.shape_cast %slice3A_66 : vector<1x112x112xf32> to vector<112x112xf32>
    %slice3A_68 = vector.extract_strided_slice %get3A_4 {offsets = [20, 0, 0], sizes = [1, 112, 112], strides = [1, 1, 1]} : vector<48x112x112xf32> to vector<1x112x112xf32>
    %squeeze3A_69 = vector.shape_cast %slice3A_68 : vector<1x112x112xf32> to vector<112x112xf32>
    %sub3A_70 = arith.subf %squeeze3A_67, %squeeze3A_69 : vector<112x112xf32>
    %abs3A_71 = math.absf %sub3A_70 : vector<112x112xf32>
    %add3A_72 = arith.addf %abs3A_65, %abs3A_71 : vector<112x112xf32>
    %slice3A_73 = vector.extract_strided_slice %get3A_4 {offsets = [35, 0, 0], sizes = [1, 112, 112], strides = [1, 1, 1]} : vector<48x112x112xf32> to vector<1x112x112xf32>
    %squeeze3A_74 = vector.shape_cast %slice3A_73 : vector<1x112x112xf32> to vector<112x112xf32>
    %slice3A_75 = vector.extract_strided_slice %get3A_4 {offsets = [36, 0, 0], sizes = [1, 112, 112], strides = [1, 1, 1]} : vector<48x112x112xf32> to vector<1x112x112xf32>
    %squeeze3A_76 = vector.shape_cast %slice3A_75 : vector<1x112x112xf32> to vector<112x112xf32>
    %sub3A_77 = arith.subf %squeeze3A_74, %squeeze3A_76 : vector<112x112xf32>
    %abs3A_78 = math.absf %sub3A_77 : vector<112x112xf32>
    %add3A_79 = arith.addf %add3A_72, %abs3A_78 : vector<112x112xf32>
    %slice3A_80 = vector.extract_strided_slice %get3A_4 {offsets = [4, 0, 0], sizes = [1, 112, 112], strides = [1, 1, 1]} : vector<48x112x112xf32> to vector<1x112x112xf32>
    %squeeze3A_81 = vector.shape_cast %slice3A_80 : vector<1x112x112xf32> to vector<112x112xf32>
    %slice3A_82 = vector.extract_strided_slice %get3A_4 {offsets = [5, 0, 0], sizes = [1, 112, 112], strides = [1, 1, 1]} : vector<48x112x112xf32> to vector<1x112x112xf32>
    %squeeze3A_83 = vector.shape_cast %slice3A_82 : vector<1x112x112xf32> to vector<112x112xf32>
    %sub3A_84 = arith.subf %squeeze3A_81, %squeeze3A_83 : vector<112x112xf32>
    %abs3A_85 = math.absf %sub3A_84 : vector<112x112xf32>
    %slice3A_86 = vector.extract_strided_slice %get3A_4 {offsets = [20, 0, 0], sizes = [1, 112, 112], strides = [1, 1, 1]} : vector<48x112x112xf32> to vector<1x112x112xf32>
    %squeeze3A_87 = vector.shape_cast %slice3A_86 : vector<1x112x112xf32> to vector<112x112xf32>
    %slice3A_88 = vector.extract_strided_slice %get3A_4 {offsets = [21, 0, 0], sizes = [1, 112, 112], strides = [1, 1, 1]} : vector<48x112x112xf32> to vector<1x112x112xf32>
    %squeeze3A_89 = vector.shape_cast %slice3A_88 : vector<1x112x112xf32> to vector<112x112xf32>
    %sub3A_90 = arith.subf %squeeze3A_87, %squeeze3A_89 : vector<112x112xf32>
    %abs3A_91 = math.absf %sub3A_90 : vector<112x112xf32>
    %add3A_92 = arith.addf %abs3A_85, %abs3A_91 : vector<112x112xf32>
    %slice3A_93 = vector.extract_strided_slice %get3A_4 {offsets = [36, 0, 0], sizes = [1, 112, 112], strides = [1, 1, 1]} : vector<48x112x112xf32> to vector<1x112x112xf32>
    %squeeze3A_94 = vector.shape_cast %slice3A_93 : vector<1x112x112xf32> to vector<112x112xf32>
    %slice3A_95 = vector.extract_strided_slice %get3A_4 {offsets = [37, 0, 0], sizes = [1, 112, 112], strides = [1, 1, 1]} : vector<48x112x112xf32> to vector<1x112x112xf32>
    %squeeze3A_96 = vector.shape_cast %slice3A_95 : vector<1x112x112xf32> to vector<112x112xf32>
    %sub3A_97 = arith.subf %squeeze3A_94, %squeeze3A_96 : vector<112x112xf32>
    %abs3A_98 = math.absf %sub3A_97 : vector<112x112xf32>
    %add3A_99 = arith.addf %add3A_92, %abs3A_98 : vector<112x112xf32>
    %slice3A_100 = vector.extract_strided_slice %get3A_4 {offsets = [5, 0, 0], sizes = [1, 112, 112], strides = [1, 1, 1]} : vector<48x112x112xf32> to vector<1x112x112xf32>
    %squeeze3A_101 = vector.shape_cast %slice3A_100 : vector<1x112x112xf32> to vector<112x112xf32>
    %slice3A_102 = vector.extract_strided_slice %get3A_4 {offsets = [6, 0, 0], sizes = [1, 112, 112], strides = [1, 1, 1]} : vector<48x112x112xf32> to vector<1x112x112xf32>
    %squeeze3A_103 = vector.shape_cast %slice3A_102 : vector<1x112x112xf32> to vector<112x112xf32>
    %sub3A_104 = arith.subf %squeeze3A_101, %squeeze3A_103 : vector<112x112xf32>
    %abs3A_105 = math.absf %sub3A_104 : vector<112x112xf32>
    %slice3A_106 = vector.extract_strided_slice %get3A_4 {offsets = [21, 0, 0], sizes = [1, 112, 112], strides = [1, 1, 1]} : vector<48x112x112xf32> to vector<1x112x112xf32>
    %squeeze3A_107 = vector.shape_cast %slice3A_106 : vector<1x112x112xf32> to vector<112x112xf32>
    %slice3A_108 = vector.extract_strided_slice %get3A_4 {offsets = [22, 0, 0], sizes = [1, 112, 112], strides = [1, 1, 1]} : vector<48x112x112xf32> to vector<1x112x112xf32>
    %squeeze3A_109 = vector.shape_cast %slice3A_108 : vector<1x112x112xf32> to vector<112x112xf32>
    %sub3A_110 = arith.subf %squeeze3A_107, %squeeze3A_109 : vector<112x112xf32>
    %abs3A_111 = math.absf %sub3A_110 : vector<112x112xf32>
    %add3A_112 = arith.addf %abs3A_105, %abs3A_111 : vector<112x112xf32>
    %slice3A_113 = vector.extract_strided_slice %get3A_4 {offsets = [37, 0, 0], sizes = [1, 112, 112], strides = [1, 1, 1]} : vector<48x112x112xf32> to vector<1x112x112xf32>
    %squeeze3A_114 = vector.shape_cast %slice3A_113 : vector<1x112x112xf32> to vector<112x112xf32>
    %slice3A_115 = vector.extract_strided_slice %get3A_4 {offsets = [38, 0, 0], sizes = [1, 112, 112], strides = [1, 1, 1]} : vector<48x112x112xf32> to vector<1x112x112xf32>
    %squeeze3A_116 = vector.shape_cast %slice3A_115 : vector<1x112x112xf32> to vector<112x112xf32>
    %sub3A_117 = arith.subf %squeeze3A_114, %squeeze3A_116 : vector<112x112xf32>
    %abs3A_118 = math.absf %sub3A_117 : vector<112x112xf32>
    %add3A_119 = arith.addf %add3A_112, %abs3A_118 : vector<112x112xf32>
    %slice3A_120 = vector.extract_strided_slice %get3A_4 {offsets = [6, 0, 0], sizes = [1, 112, 112], strides = [1, 1, 1]} : vector<48x112x112xf32> to vector<1x112x112xf32>
    %squeeze3A_121 = vector.shape_cast %slice3A_120 : vector<1x112x112xf32> to vector<112x112xf32>
    %slice3A_122 = vector.extract_strided_slice %get3A_4 {offsets = [7, 0, 0], sizes = [1, 112, 112], strides = [1, 1, 1]} : vector<48x112x112xf32> to vector<1x112x112xf32>
    %squeeze3A_123 = vector.shape_cast %slice3A_122 : vector<1x112x112xf32> to vector<112x112xf32>
    %sub3A_124 = arith.subf %squeeze3A_121, %squeeze3A_123 : vector<112x112xf32>
    %abs3A_125 = math.absf %sub3A_124 : vector<112x112xf32>
    %slice3A_126 = vector.extract_strided_slice %get3A_4 {offsets = [22, 0, 0], sizes = [1, 112, 112], strides = [1, 1, 1]} : vector<48x112x112xf32> to vector<1x112x112xf32>
    %squeeze3A_127 = vector.shape_cast %slice3A_126 : vector<1x112x112xf32> to vector<112x112xf32>
    %slice3A_128 = vector.extract_strided_slice %get3A_4 {offsets = [23, 0, 0], sizes = [1, 112, 112], strides = [1, 1, 1]} : vector<48x112x112xf32> to vector<1x112x112xf32>
    %squeeze3A_129 = vector.shape_cast %slice3A_128 : vector<1x112x112xf32> to vector<112x112xf32>
    %sub3A_130 = arith.subf %squeeze3A_127, %squeeze3A_129 : vector<112x112xf32>
    %abs3A_131 = math.absf %sub3A_130 : vector<112x112xf32>
    %add3A_132 = arith.addf %abs3A_125, %abs3A_131 : vector<112x112xf32>
    %slice3A_133 = vector.extract_strided_slice %get3A_4 {offsets = [38, 0, 0], sizes = [1, 112, 112], strides = [1, 1, 1]} : vector<48x112x112xf32> to vector<1x112x112xf32>
    %squeeze3A_134 = vector.shape_cast %slice3A_133 : vector<1x112x112xf32> to vector<112x112xf32>
    %slice3A_135 = vector.extract_strided_slice %get3A_4 {offsets = [39, 0, 0], sizes = [1, 112, 112], strides = [1, 1, 1]} : vector<48x112x112xf32> to vector<1x112x112xf32>
    %squeeze3A_136 = vector.shape_cast %slice3A_135 : vector<1x112x112xf32> to vector<112x112xf32>
    %sub3A_137 = arith.subf %squeeze3A_134, %squeeze3A_136 : vector<112x112xf32>
    %abs3A_138 = math.absf %sub3A_137 : vector<112x112xf32>
    %add3A_139 = arith.addf %add3A_132, %abs3A_138 : vector<112x112xf32>
    %slice3A_140 = vector.extract_strided_slice %get3A_4 {offsets = [7, 0, 0], sizes = [1, 112, 112], strides = [1, 1, 1]} : vector<48x112x112xf32> to vector<1x112x112xf32>
    %squeeze3A_141 = vector.shape_cast %slice3A_140 : vector<1x112x112xf32> to vector<112x112xf32>
    %slice3A_142 = vector.extract_strided_slice %get3A_4 {offsets = [8, 0, 0], sizes = [1, 112, 112], strides = [1, 1, 1]} : vector<48x112x112xf32> to vector<1x112x112xf32>
    %squeeze3A_143 = vector.shape_cast %slice3A_142 : vector<1x112x112xf32> to vector<112x112xf32>
    %sub3A_144 = arith.subf %squeeze3A_141, %squeeze3A_143 : vector<112x112xf32>
    %abs3A_145 = math.absf %sub3A_144 : vector<112x112xf32>
    %slice3A_146 = vector.extract_strided_slice %get3A_4 {offsets = [23, 0, 0], sizes = [1, 112, 112], strides = [1, 1, 1]} : vector<48x112x112xf32> to vector<1x112x112xf32>
    %squeeze3A_147 = vector.shape_cast %slice3A_146 : vector<1x112x112xf32> to vector<112x112xf32>
    %slice3A_148 = vector.extract_strided_slice %get3A_4 {offsets = [24, 0, 0], sizes = [1, 112, 112], strides = [1, 1, 1]} : vector<48x112x112xf32> to vector<1x112x112xf32>
    %squeeze3A_149 = vector.shape_cast %slice3A_148 : vector<1x112x112xf32> to vector<112x112xf32>
    %sub3A_150 = arith.subf %squeeze3A_147, %squeeze3A_149 : vector<112x112xf32>
    %abs3A_151 = math.absf %sub3A_150 : vector<112x112xf32>
    %add3A_152 = arith.addf %abs3A_145, %abs3A_151 : vector<112x112xf32>
    %slice3A_153 = vector.extract_strided_slice %get3A_4 {offsets = [39, 0, 0], sizes = [1, 112, 112], strides = [1, 1, 1]} : vector<48x112x112xf32> to vector<1x112x112xf32>
    %squeeze3A_154 = vector.shape_cast %slice3A_153 : vector<1x112x112xf32> to vector<112x112xf32>
    %slice3A_155 = vector.extract_strided_slice %get3A_4 {offsets = [40, 0, 0], sizes = [1, 112, 112], strides = [1, 1, 1]} : vector<48x112x112xf32> to vector<1x112x112xf32>
    %squeeze3A_156 = vector.shape_cast %slice3A_155 : vector<1x112x112xf32> to vector<112x112xf32>
    %sub3A_157 = arith.subf %squeeze3A_154, %squeeze3A_156 : vector<112x112xf32>
    %abs3A_158 = math.absf %sub3A_157 : vector<112x112xf32>
    %add3A_159 = arith.addf %add3A_152, %abs3A_158 : vector<112x112xf32>
    %slice3A_160 = vector.extract_strided_slice %get3A_4 {offsets = [8, 0, 0], sizes = [1, 112, 112], strides = [1, 1, 1]} : vector<48x112x112xf32> to vector<1x112x112xf32>
    %squeeze3A_161 = vector.shape_cast %slice3A_160 : vector<1x112x112xf32> to vector<112x112xf32>
    %slice3A_162 = vector.extract_strided_slice %get3A_4 {offsets = [9, 0, 0], sizes = [1, 112, 112], strides = [1, 1, 1]} : vector<48x112x112xf32> to vector<1x112x112xf32>
    %squeeze3A_163 = vector.shape_cast %slice3A_162 : vector<1x112x112xf32> to vector<112x112xf32>
    %sub3A_164 = arith.subf %squeeze3A_161, %squeeze3A_163 : vector<112x112xf32>
    %abs3A_165 = math.absf %sub3A_164 : vector<112x112xf32>
    %slice3A_166 = vector.extract_strided_slice %get3A_4 {offsets = [24, 0, 0], sizes = [1, 112, 112], strides = [1, 1, 1]} : vector<48x112x112xf32> to vector<1x112x112xf32>
    %squeeze3A_167 = vector.shape_cast %slice3A_166 : vector<1x112x112xf32> to vector<112x112xf32>
    %slice3A_168 = vector.extract_strided_slice %get3A_4 {offsets = [25, 0, 0], sizes = [1, 112, 112], strides = [1, 1, 1]} : vector<48x112x112xf32> to vector<1x112x112xf32>
    %squeeze3A_169 = vector.shape_cast %slice3A_168 : vector<1x112x112xf32> to vector<112x112xf32>
    %sub3A_170 = arith.subf %squeeze3A_167, %squeeze3A_169 : vector<112x112xf32>
    %abs3A_171 = math.absf %sub3A_170 : vector<112x112xf32>
    %add3A_172 = arith.addf %abs3A_165, %abs3A_171 : vector<112x112xf32>
    %slice3A_173 = vector.extract_strided_slice %get3A_4 {offsets = [40, 0, 0], sizes = [1, 112, 112], strides = [1, 1, 1]} : vector<48x112x112xf32> to vector<1x112x112xf32>
    %squeeze3A_174 = vector.shape_cast %slice3A_173 : vector<1x112x112xf32> to vector<112x112xf32>
    %slice3A_175 = vector.extract_strided_slice %get3A_4 {offsets = [41, 0, 0], sizes = [1, 112, 112], strides = [1, 1, 1]} : vector<48x112x112xf32> to vector<1x112x112xf32>
    %squeeze3A_176 = vector.shape_cast %slice3A_175 : vector<1x112x112xf32> to vector<112x112xf32>
    %sub3A_177 = arith.subf %squeeze3A_174, %squeeze3A_176 : vector<112x112xf32>
    %abs3A_178 = math.absf %sub3A_177 : vector<112x112xf32>
    %add3A_179 = arith.addf %add3A_172, %abs3A_178 : vector<112x112xf32>
    %slice3A_180 = vector.extract_strided_slice %get3A_4 {offsets = [9, 0, 0], sizes = [1, 112, 112], strides = [1, 1, 1]} : vector<48x112x112xf32> to vector<1x112x112xf32>
    %squeeze3A_181 = vector.shape_cast %slice3A_180 : vector<1x112x112xf32> to vector<112x112xf32>
    %slice3A_182 = vector.extract_strided_slice %get3A_4 {offsets = [10, 0, 0], sizes = [1, 112, 112], strides = [1, 1, 1]} : vector<48x112x112xf32> to vector<1x112x112xf32>
    %squeeze3A_183 = vector.shape_cast %slice3A_182 : vector<1x112x112xf32> to vector<112x112xf32>
    %sub3A_184 = arith.subf %squeeze3A_181, %squeeze3A_183 : vector<112x112xf32>
    %abs3A_185 = math.absf %sub3A_184 : vector<112x112xf32>
    %slice3A_186 = vector.extract_strided_slice %get3A_4 {offsets = [25, 0, 0], sizes = [1, 112, 112], strides = [1, 1, 1]} : vector<48x112x112xf32> to vector<1x112x112xf32>
    %squeeze3A_187 = vector.shape_cast %slice3A_186 : vector<1x112x112xf32> to vector<112x112xf32>
    %slice3A_188 = vector.extract_strided_slice %get3A_4 {offsets = [26, 0, 0], sizes = [1, 112, 112], strides = [1, 1, 1]} : vector<48x112x112xf32> to vector<1x112x112xf32>
    %squeeze3A_189 = vector.shape_cast %slice3A_188 : vector<1x112x112xf32> to vector<112x112xf32>
    %sub3A_190 = arith.subf %squeeze3A_187, %squeeze3A_189 : vector<112x112xf32>
    %abs3A_191 = math.absf %sub3A_190 : vector<112x112xf32>
    %add3A_192 = arith.addf %abs3A_185, %abs3A_191 : vector<112x112xf32>
    %slice3A_193 = vector.extract_strided_slice %get3A_4 {offsets = [41, 0, 0], sizes = [1, 112, 112], strides = [1, 1, 1]} : vector<48x112x112xf32> to vector<1x112x112xf32>
    %squeeze3A_194 = vector.shape_cast %slice3A_193 : vector<1x112x112xf32> to vector<112x112xf32>
    %slice3A_195 = vector.extract_strided_slice %get3A_4 {offsets = [42, 0, 0], sizes = [1, 112, 112], strides = [1, 1, 1]} : vector<48x112x112xf32> to vector<1x112x112xf32>
    %squeeze3A_196 = vector.shape_cast %slice3A_195 : vector<1x112x112xf32> to vector<112x112xf32>
    %sub3A_197 = arith.subf %squeeze3A_194, %squeeze3A_196 : vector<112x112xf32>
    %abs3A_198 = math.absf %sub3A_197 : vector<112x112xf32>
    %add3A_199 = arith.addf %add3A_192, %abs3A_198 : vector<112x112xf32>
    %slice3A_200 = vector.extract_strided_slice %get3A_4 {offsets = [10, 0, 0], sizes = [1, 112, 112], strides = [1, 1, 1]} : vector<48x112x112xf32> to vector<1x112x112xf32>
    %squeeze3A_201 = vector.shape_cast %slice3A_200 : vector<1x112x112xf32> to vector<112x112xf32>
    %slice3A_202 = vector.extract_strided_slice %get3A_4 {offsets = [11, 0, 0], sizes = [1, 112, 112], strides = [1, 1, 1]} : vector<48x112x112xf32> to vector<1x112x112xf32>
    %squeeze3A_203 = vector.shape_cast %slice3A_202 : vector<1x112x112xf32> to vector<112x112xf32>
    %sub3A_204 = arith.subf %squeeze3A_201, %squeeze3A_203 : vector<112x112xf32>
    %abs3A_205 = math.absf %sub3A_204 : vector<112x112xf32>
    %slice3A_206 = vector.extract_strided_slice %get3A_4 {offsets = [26, 0, 0], sizes = [1, 112, 112], strides = [1, 1, 1]} : vector<48x112x112xf32> to vector<1x112x112xf32>
    %squeeze3A_207 = vector.shape_cast %slice3A_206 : vector<1x112x112xf32> to vector<112x112xf32>
    %slice3A_208 = vector.extract_strided_slice %get3A_4 {offsets = [27, 0, 0], sizes = [1, 112, 112], strides = [1, 1, 1]} : vector<48x112x112xf32> to vector<1x112x112xf32>
    %squeeze3A_209 = vector.shape_cast %slice3A_208 : vector<1x112x112xf32> to vector<112x112xf32>
    %sub3A_210 = arith.subf %squeeze3A_207, %squeeze3A_209 : vector<112x112xf32>
    %abs3A_211 = math.absf %sub3A_210 : vector<112x112xf32>
    %add3A_212 = arith.addf %abs3A_205, %abs3A_211 : vector<112x112xf32>
    %slice3A_213 = vector.extract_strided_slice %get3A_4 {offsets = [42, 0, 0], sizes = [1, 112, 112], strides = [1, 1, 1]} : vector<48x112x112xf32> to vector<1x112x112xf32>
    %squeeze3A_214 = vector.shape_cast %slice3A_213 : vector<1x112x112xf32> to vector<112x112xf32>
    %slice3A_215 = vector.extract_strided_slice %get3A_4 {offsets = [43, 0, 0], sizes = [1, 112, 112], strides = [1, 1, 1]} : vector<48x112x112xf32> to vector<1x112x112xf32>
    %squeeze3A_216 = vector.shape_cast %slice3A_215 : vector<1x112x112xf32> to vector<112x112xf32>
    %sub3A_217 = arith.subf %squeeze3A_214, %squeeze3A_216 : vector<112x112xf32>
    %abs3A_218 = math.absf %sub3A_217 : vector<112x112xf32>
    %add3A_219 = arith.addf %add3A_212, %abs3A_218 : vector<112x112xf32>
    %slice3A_220 = vector.extract_strided_slice %get3A_4 {offsets = [11, 0, 0], sizes = [1, 112, 112], strides = [1, 1, 1]} : vector<48x112x112xf32> to vector<1x112x112xf32>
    %squeeze3A_221 = vector.shape_cast %slice3A_220 : vector<1x112x112xf32> to vector<112x112xf32>
    %slice3A_222 = vector.extract_strided_slice %get3A_4 {offsets = [12, 0, 0], sizes = [1, 112, 112], strides = [1, 1, 1]} : vector<48x112x112xf32> to vector<1x112x112xf32>
    %squeeze3A_223 = vector.shape_cast %slice3A_222 : vector<1x112x112xf32> to vector<112x112xf32>
    %sub3A_224 = arith.subf %squeeze3A_221, %squeeze3A_223 : vector<112x112xf32>
    %abs3A_225 = math.absf %sub3A_224 : vector<112x112xf32>
    %slice3A_226 = vector.extract_strided_slice %get3A_4 {offsets = [27, 0, 0], sizes = [1, 112, 112], strides = [1, 1, 1]} : vector<48x112x112xf32> to vector<1x112x112xf32>
    %squeeze3A_227 = vector.shape_cast %slice3A_226 : vector<1x112x112xf32> to vector<112x112xf32>
    %slice3A_228 = vector.extract_strided_slice %get3A_4 {offsets = [28, 0, 0], sizes = [1, 112, 112], strides = [1, 1, 1]} : vector<48x112x112xf32> to vector<1x112x112xf32>
    %squeeze3A_229 = vector.shape_cast %slice3A_228 : vector<1x112x112xf32> to vector<112x112xf32>
    %sub3A_230 = arith.subf %squeeze3A_227, %squeeze3A_229 : vector<112x112xf32>
    %abs3A_231 = math.absf %sub3A_230 : vector<112x112xf32>
    %add3A_232 = arith.addf %abs3A_225, %abs3A_231 : vector<112x112xf32>
    %slice3A_233 = vector.extract_strided_slice %get3A_4 {offsets = [43, 0, 0], sizes = [1, 112, 112], strides = [1, 1, 1]} : vector<48x112x112xf32> to vector<1x112x112xf32>
    %squeeze3A_234 = vector.shape_cast %slice3A_233 : vector<1x112x112xf32> to vector<112x112xf32>
    %slice3A_235 = vector.extract_strided_slice %get3A_4 {offsets = [44, 0, 0], sizes = [1, 112, 112], strides = [1, 1, 1]} : vector<48x112x112xf32> to vector<1x112x112xf32>
    %squeeze3A_236 = vector.shape_cast %slice3A_235 : vector<1x112x112xf32> to vector<112x112xf32>
    %sub3A_237 = arith.subf %squeeze3A_234, %squeeze3A_236 : vector<112x112xf32>
    %abs3A_238 = math.absf %sub3A_237 : vector<112x112xf32>
    %add3A_239 = arith.addf %add3A_232, %abs3A_238 : vector<112x112xf32>
    %slice3A_240 = vector.extract_strided_slice %get3A_4 {offsets = [12, 0, 0], sizes = [1, 112, 112], strides = [1, 1, 1]} : vector<48x112x112xf32> to vector<1x112x112xf32>
    %squeeze3A_241 = vector.shape_cast %slice3A_240 : vector<1x112x112xf32> to vector<112x112xf32>
    %slice3A_242 = vector.extract_strided_slice %get3A_4 {offsets = [13, 0, 0], sizes = [1, 112, 112], strides = [1, 1, 1]} : vector<48x112x112xf32> to vector<1x112x112xf32>
    %squeeze3A_243 = vector.shape_cast %slice3A_242 : vector<1x112x112xf32> to vector<112x112xf32>
    %sub3A_244 = arith.subf %squeeze3A_241, %squeeze3A_243 : vector<112x112xf32>
    %abs3A_245 = math.absf %sub3A_244 : vector<112x112xf32>
    %slice3A_246 = vector.extract_strided_slice %get3A_4 {offsets = [28, 0, 0], sizes = [1, 112, 112], strides = [1, 1, 1]} : vector<48x112x112xf32> to vector<1x112x112xf32>
    %squeeze3A_247 = vector.shape_cast %slice3A_246 : vector<1x112x112xf32> to vector<112x112xf32>
    %slice3A_248 = vector.extract_strided_slice %get3A_4 {offsets = [29, 0, 0], sizes = [1, 112, 112], strides = [1, 1, 1]} : vector<48x112x112xf32> to vector<1x112x112xf32>
    %squeeze3A_249 = vector.shape_cast %slice3A_248 : vector<1x112x112xf32> to vector<112x112xf32>
    %sub3A_250 = arith.subf %squeeze3A_247, %squeeze3A_249 : vector<112x112xf32>
    %abs3A_251 = math.absf %sub3A_250 : vector<112x112xf32>
    %add3A_252 = arith.addf %abs3A_245, %abs3A_251 : vector<112x112xf32>
    %slice3A_253 = vector.extract_strided_slice %get3A_4 {offsets = [44, 0, 0], sizes = [1, 112, 112], strides = [1, 1, 1]} : vector<48x112x112xf32> to vector<1x112x112xf32>
    %squeeze3A_254 = vector.shape_cast %slice3A_253 : vector<1x112x112xf32> to vector<112x112xf32>
    %slice3A_255 = vector.extract_strided_slice %get3A_4 {offsets = [45, 0, 0], sizes = [1, 112, 112], strides = [1, 1, 1]} : vector<48x112x112xf32> to vector<1x112x112xf32>
    %squeeze3A_256 = vector.shape_cast %slice3A_255 : vector<1x112x112xf32> to vector<112x112xf32>
    %sub3A_257 = arith.subf %squeeze3A_254, %squeeze3A_256 : vector<112x112xf32>
    %abs3A_258 = math.absf %sub3A_257 : vector<112x112xf32>
    %add3A_259 = arith.addf %add3A_252, %abs3A_258 : vector<112x112xf32>
    %slice3A_260 = vector.extract_strided_slice %get3A_4 {offsets = [13, 0, 0], sizes = [1, 112, 112], strides = [1, 1, 1]} : vector<48x112x112xf32> to vector<1x112x112xf32>
    %squeeze3A_261 = vector.shape_cast %slice3A_260 : vector<1x112x112xf32> to vector<112x112xf32>
    %slice3A_262 = vector.extract_strided_slice %get3A_4 {offsets = [14, 0, 0], sizes = [1, 112, 112], strides = [1, 1, 1]} : vector<48x112x112xf32> to vector<1x112x112xf32>
    %squeeze3A_263 = vector.shape_cast %slice3A_262 : vector<1x112x112xf32> to vector<112x112xf32>
    %sub3A_264 = arith.subf %squeeze3A_261, %squeeze3A_263 : vector<112x112xf32>
    %abs3A_265 = math.absf %sub3A_264 : vector<112x112xf32>
    %slice3A_266 = vector.extract_strided_slice %get3A_4 {offsets = [29, 0, 0], sizes = [1, 112, 112], strides = [1, 1, 1]} : vector<48x112x112xf32> to vector<1x112x112xf32>
    %squeeze3A_267 = vector.shape_cast %slice3A_266 : vector<1x112x112xf32> to vector<112x112xf32>
    %slice3A_268 = vector.extract_strided_slice %get3A_4 {offsets = [30, 0, 0], sizes = [1, 112, 112], strides = [1, 1, 1]} : vector<48x112x112xf32> to vector<1x112x112xf32>
    %squeeze3A_269 = vector.shape_cast %slice3A_268 : vector<1x112x112xf32> to vector<112x112xf32>
    %sub3A_270 = arith.subf %squeeze3A_267, %squeeze3A_269 : vector<112x112xf32>
    %abs3A_271 = math.absf %sub3A_270 : vector<112x112xf32>
    %add3A_272 = arith.addf %abs3A_265, %abs3A_271 : vector<112x112xf32>
    %slice3A_273 = vector.extract_strided_slice %get3A_4 {offsets = [45, 0, 0], sizes = [1, 112, 112], strides = [1, 1, 1]} : vector<48x112x112xf32> to vector<1x112x112xf32>
    %squeeze3A_274 = vector.shape_cast %slice3A_273 : vector<1x112x112xf32> to vector<112x112xf32>
    %slice3A_275 = vector.extract_strided_slice %get3A_4 {offsets = [46, 0, 0], sizes = [1, 112, 112], strides = [1, 1, 1]} : vector<48x112x112xf32> to vector<1x112x112xf32>
    %squeeze3A_276 = vector.shape_cast %slice3A_275 : vector<1x112x112xf32> to vector<112x112xf32>
    %sub3A_277 = arith.subf %squeeze3A_274, %squeeze3A_276 : vector<112x112xf32>
    %abs3A_278 = math.absf %sub3A_277 : vector<112x112xf32>
    %add3A_279 = arith.addf %add3A_272, %abs3A_278 : vector<112x112xf32>
    %slice3A_280 = vector.extract_strided_slice %get3A_4 {offsets = [14, 0, 0], sizes = [1, 112, 112], strides = [1, 1, 1]} : vector<48x112x112xf32> to vector<1x112x112xf32>
    %squeeze3A_281 = vector.shape_cast %slice3A_280 : vector<1x112x112xf32> to vector<112x112xf32>
    %slice3A_282 = vector.extract_strided_slice %get3A_4 {offsets = [15, 0, 0], sizes = [1, 112, 112], strides = [1, 1, 1]} : vector<48x112x112xf32> to vector<1x112x112xf32>
    %squeeze3A_283 = vector.shape_cast %slice3A_282 : vector<1x112x112xf32> to vector<112x112xf32>
    %sub3A_284 = arith.subf %squeeze3A_281, %squeeze3A_283 : vector<112x112xf32>
    %abs3A_285 = math.absf %sub3A_284 : vector<112x112xf32>
    %slice3A_286 = vector.extract_strided_slice %get3A_4 {offsets = [30, 0, 0], sizes = [1, 112, 112], strides = [1, 1, 1]} : vector<48x112x112xf32> to vector<1x112x112xf32>
    %squeeze3A_287 = vector.shape_cast %slice3A_286 : vector<1x112x112xf32> to vector<112x112xf32>
    %slice3A_288 = vector.extract_strided_slice %get3A_4 {offsets = [31, 0, 0], sizes = [1, 112, 112], strides = [1, 1, 1]} : vector<48x112x112xf32> to vector<1x112x112xf32>
    %squeeze3A_289 = vector.shape_cast %slice3A_288 : vector<1x112x112xf32> to vector<112x112xf32>
    %sub3A_290 = arith.subf %squeeze3A_287, %squeeze3A_289 : vector<112x112xf32>
    %abs3A_291 = math.absf %sub3A_290 : vector<112x112xf32>
    %add3A_292 = arith.addf %abs3A_285, %abs3A_291 : vector<112x112xf32>
    %slice3A_293 = vector.extract_strided_slice %get3A_4 {offsets = [46, 0, 0], sizes = [1, 112, 112], strides = [1, 1, 1]} : vector<48x112x112xf32> to vector<1x112x112xf32>
    %squeeze3A_294 = vector.shape_cast %slice3A_293 : vector<1x112x112xf32> to vector<112x112xf32>
    %slice3A_295 = vector.extract_strided_slice %get3A_4 {offsets = [47, 0, 0], sizes = [1, 112, 112], strides = [1, 1, 1]} : vector<48x112x112xf32> to vector<1x112x112xf32>
    %squeeze3A_296 = vector.shape_cast %slice3A_295 : vector<1x112x112xf32> to vector<112x112xf32>
    %sub3A_297 = arith.subf %squeeze3A_294, %squeeze3A_296 : vector<112x112xf32>
    %abs3A_298 = math.absf %sub3A_297 : vector<112x112xf32>
    %add3A_299 = arith.addf %add3A_292, %abs3A_298 : vector<112x112xf32>
    %add3A_300 = arith.addf %add3A_19, %add3A_39 : vector<112x112xf32>
    %add3A_301 = arith.addf %add3A_59, %add3A_79 : vector<112x112xf32>
    %add3A_302 = arith.addf %add3A_99, %add3A_119 : vector<112x112xf32>
    %add3A_303 = arith.addf %add3A_139, %add3A_159 : vector<112x112xf32>
    %add3A_304 = arith.addf %add3A_179, %add3A_199 : vector<112x112xf32>
    %add3A_305 = arith.addf %add3A_219, %add3A_239 : vector<112x112xf32>
    %add3A_306 = arith.addf %add3A_259, %add3A_279 : vector<112x112xf32>
    %add3A_307 = arith.addf %add3A_300, %add3A_301 : vector<112x112xf32>
    %add3A_308 = arith.addf %add3A_302, %add3A_303 : vector<112x112xf32>
    %add3A_309 = arith.addf %add3A_304, %add3A_305 : vector<112x112xf32>
    %add3A_310 = arith.addf %add3A_306, %add3A_299 : vector<112x112xf32>
    %add3A_311 = arith.addf %add3A_307, %add3A_308 : vector<112x112xf32>
    %add3A_312 = arith.addf %add3A_309, %add3A_310 : vector<112x112xf32>
    %add3A_313 = arith.addf %add3A_311, %add3A_312 : vector<112x112xf32>
    %mul3A = arith.constant 0.0666666701 : f32
    %mul3A_314 = vector.broadcast %mul3A : f32 to vector<112x112xf32>
    %mul3A_315 = arith.mulf %add3A_313, %mul3A_314 : vector<112x112xf32>
    %swap3A = arith.constant 0 : index
    %swap3A_316 = arith.constant 0 : index
    %swap3A_317 = arith.constant 0 : index
    %swap3A_318 = vector.load %arg2[%swap3A, %swap3A_316, %swap3A_317] : memref<1x112x112xf32, #tpu.memory_space<vmem>>, vector<1x112x112xf32>
    %swap3A_319 = vector.shape_cast %swap3A_318 : vector<1x112x112xf32> to vector<112x112xf32>
    %swap3A_320 = vector.shape_cast %mul3A_315 : vector<112x112xf32> to vector<1x112x112xf32>
    tpu.vector_store %arg2[%swap3A, %swap3A_316, %swap3A_317], %swap3A_320 {strides = array<i32>} : memref<1x112x112xf32, #tpu.memory_space<vmem>>, vector<1x112x112xf32>,
    return
  }
  func.func @transform_0(%arg0: i32) -> (i32, i32, i32, i32) {
    %c0_i32 = arith.constant 0 : i32
    %c0_i32_0 = arith.constant 0 : i32
    %c0_i32_1 = arith.constant 0 : i32
    %c0_i32_2 = arith.constant 0 : i32
    return %arg0, %c0_i32, %c0_i32_0, %c0_i32_1 : i32, i32, i32, i32
  }
  func.func @transform_1(%arg0: i32) -> (i32, i32, i32) {
    %c0_i32 = arith.constant 0 : i32
    %c0_i32_0 = arith.constant 0 : i32
    %c0_i32_1 = arith.constant 0 : i32
    return %arg0, %c0_i32, %c0_i32_0 : i32, i32, i32
  }
}

</mosaic_0001>

<sc_bundles>
// kernel: kernel.4.cloned.1.call-start
scs
__scs_entry_jumppad:
0x0: {  	(pc) =	sbr.rel $0x88, $3  }
0x1: {  	(tag) =	ssettag $0x0;
	lr =	simm.s32 $0x1  }
0x2: {  	[smem:$0x3FA0] =	sst lr;
	_ =	strace $0xD0000000  }
0x3: {  	_ = 	snop  }
0x4: {  	_ = 	snop  }
0x5: {  	_ = 	snop  }
0x6: {  	_ = 	snop  }
0x7: {  	_ = 	snop  }
__scs_overlays_trampoline_lowered:
0x8: {  	[smem:$0x3FAF] =	sst s0  }
0x9: {  	[smem:$0x3FB0] =	sst s1  }
0xa: {  	[smem:$0x3FB1] =	sst s2  }
0xb: {  	[smem:$0x3FB2] =	sst s3  }
0xc: {  	[smem:$0x3FB3] =	sst s4  }
0xd: {  	[smem:$0x3FB4] =	sst s5  }
0xe: {  	[smem:$0x3FB5] =	sst s6  }
0xf: {  	[smem:$0x3FB6] =	sst s7  }
0x10: {  	[smem:$0x3FB7] =	sst s8  }
0x11: {  	[smem:$0x3FB8] =	sst s9;
	s0 =	simm.s32 @!p0 $0x0  }
0x12: {  	s1 =	sld [smem:$0x3F9E];
	s0 =	simm.s32 @p0 $0x1  }
0x13: {  	[smem:$0x3FB9] =	sst s0;
	s0 =	simm.s32 @!p1 $0x0  }
0x14: {  	s2 =	sld [smem:$0x3F9D];
	s0 =	simm.s32 @p1 $0x1  }
0x15: {  	[smem:$0x3FBA] =	sst s0;
	s0 =	simm.s32 @!p2 $0x0  }
0x16: {  	s3 =	sld [smem:$0x3FDB];
	s0 =	simm.s32 @p2 $0x1  }
0x17: {  	s4 =	simm.s32 $0x1BF5;
	[smem:$0x3FBC] =	sst s0  }
0x18: {  	s0 =	sld [smem:$0x3F9F];
	_ =	swait.ge [sflag:s4], $0x0  }
0x19: {  	s7 =	sld [smem:$0x3FA0]  }
0x1a: {  	s8 =	sadd.s32 $0xFFFFE003, lr  }
0x1b: {  	s9 =	sadd.s32 $0xFFFFFEF7, lr;
	s5 =	simm.s32 $0xFFFFFFFF;
	p2 =	slt.u32 s8, $0xFFFFF086  }
0x1c: {  	p1 =	slt.u32 s9, $0xF7A;
	s5 =	simm.s32 @!p2 $0x0  }
0x1d: {  	s5 =	simm.s32 @p1 $0x1;
	p0 =	seq.s32 s7, s2  }
0x1e: {  	s7 =	smul.u32 @!p0 $0xF7A, s2;
	p2 =	seq.s32 @!p0 s5, $0x0  }
0x1f: {  	s9 =	smul.u32 $0xF7A, s1;
	s8 =	simm.s32 @!p0 $0x1BF5;
	p2 =	por !p2, p0  }
0x20: {  	[sflag:s8] =	ssyncset.s32 @!p0 $0xFFFFF086;
	s6 =	sadd.s32 @!p0 s3, s7;
	s7 =	simm.s32 @!p0 $0x108  }
0x21: {  	s3 =	sadd.s32 s3, s9;
	s6 =	sadd.s32 @!p0 $0x88, s6;
	s7 =	simm.s32 @p2 $0x1082  }
0x22: {  	[simem:s7], [sflag:s8] =	dma.local @!p0 [hbm:s6], $0xF7A  }
0x23: {  	s9 =	sor.u32 $0xD0000000, s2;
	s6 =	simm.s32 $0x108;
	_ =	swait.ge @!p0 [sflag:s8], $0x0  }
0x24: {  	s3 =	sadd.s32 $0x88, s3;
	s6 =	simm.s32 @!p1 $0x1082;
	[sflag:s4] =	ssyncset.s32 $0xFFFFF086  }
0x25: {  	[simem:s6], [sflag:s4] =	dma.local [hbm:s3], $0xF7A  }
0x26: {  	[smem:$0x3FA0] =	sst s1;
	(tag) =	ssettag s2;
	_ =	strace s9  }
0x27: {  	s1 =	sld [smem:$0x3FB0]  }
0x28: {  	s2 =	sld [smem:$0x3FB1]  }
0x29: {  	s4 =	sld [smem:$0x3FB3]  }
0x2a: {  	p0 =	seq.s32 s5, $0x0;
	s5 =	sld [smem:$0x3FB4]  }
0x2b: {  	s6 =	sld [smem:$0x3FB5]  }
0x2c: {  	s7 =	sld [smem:$0x3FB6]  }
0x2d: {  	s3 =	simm.s32 $0x108;
	s8 =	sld [smem:$0x3FB7]  }
0x2e: {  	s3 =	simm.s32 @!p0 $0x1082;
	s9 =	sld [smem:$0x3FB8]  }
0x2f: {  	lr =	sadd.s32 s0, s3;
	s0 =	sld [smem:$0x3FAF]  }
0x30: {  	s3 =	sld [smem:$0x3FB2]  }
0x31: {  	[smem:$0x3FBB] =	sst s10  }
0x32: {  	s10 =	sld [smem:$0x3FB9];
	_ =	sdelay $0x3  }
0x33: {  	p0 =	seq.s32 s10, $0x1;
	s10 =	sld [smem:$0x3FBB];
	_ =	sdelay $0x3  }
0x34: {  	[smem:$0x3FBB] =	sst s10  }
0x35: {  	s10 =	sld [smem:$0x3FBA];
	_ =	sdelay $0x3  }
0x36: {  	p1 =	seq.s32 s10, $0x1;
	s10 =	sld [smem:$0x3FBB];
	_ =	sdelay $0x3  }
0x37: {  	[smem:$0x3FBB] =	sst s10  }
0x38: {  	s10 =	sld [smem:$0x3FBC]  }
0x39: {  	_ = 	snop;
	(pc) =	sbr.ind lr, $3  }
0x3a: {  	_ = 	snop  }
0x3b: {  	_ = 	snop  }
0x3c: {  	p2 =	seq.s32 s10, $0x1;
	s10 =	sld [smem:$0x3FBB]  }
0x3d: {  	_ =	shalt  }
0x3e: {  	_ =	shalt  }
0x3f: {  	_ =	shalt  }
0x40: {  	_ =	shalt  }
0x41: {  	_ =	shalt  }
0x42: {  	_ =	shalt  }
0x43: {  	_ =	shalt  }
0x44: {  	_ =	shalt  }
0x45: {  	_ =	shalt  }
0x46: {  	_ =	shalt  }
0x47: {  	_ =	shalt  }
0x48: {  	_ =	shalt  }
0x49: {  	_ =	shalt  }
0x4a: {  	_ =	shalt  }
0x4b: {  	_ =	shalt  }
0x4c: {  	_ =	shalt  }
0x4d: {  	_ =	shalt  }
0x4e: {  	_ =	shalt  }
0x4f: {  	_ =	shalt  }
0x50: {  	_ =	shalt  }
0x51: {  	_ =	shalt  }
0x52: {  	_ =	shalt  }
0x53: {  	_ =	shalt  }
0x54: {  	_ =	shalt  }
0x55: {  	_ =	shalt  }
0x56: {  	_ =	shalt  }
0x57: {  	_ =	shalt  }
0x58: {  	_ =	shalt  }
0x59: {  	_ =	shalt  }
0x5a: {  	_ =	shalt  }
0x5b: {  	_ =	shalt  }
0x5c: {  	_ =	shalt  }
0x5d: {  	_ =	shalt  }
0x5e: {  	_ =	shalt  }
0x5f: {  	_ =	shalt  }
0x60: {  	_ =	shalt  }
0x61: {  	_ =	shalt  }
0x62: {  	_ =	shalt  }
0x63: {  	_ =	shalt  }
0x64: {  	_ =	shalt  }
0x65: {  	_ =	shalt  }
0x66: {  	_ =	shalt  }
0x67: {  	_ =	shalt  }
0x68: {  	_ =	shalt  }
0x69: {  	_ =	shalt  }
0x6a: {  	_ =	shalt  }
0x6b: {  	_ =	shalt  }
0x6c: {  	_ =	shalt  }
0x6d: {  	_ =	shalt  }
0x6e: {  	_ =	shalt  }
0x6f: {  	_ =	shalt  }
0x70: {  	_ =	shalt  }
0x71: {  	_ =	shalt  }
0x72: {  	_ =	shalt  }
0x73: {  	_ =	shalt  }
0x74: {  	_ =	shalt  }
0x75: {  	_ =	shalt  }
0x76: {  	_ =	shalt  }
0x77: {  	_ =	shalt  }
0x78: {  	_ =	shalt  }
0x79: {  	_ =	shalt  }
0x7a: {  	_ =	shalt  }
0x7b: {  	_ =	shalt  }
0x7c: {  	_ =	shalt  }
0x7d: {  	_ =	shalt  }
0x7e: {  	_ =	shalt  }
0x7f: {  	_ =	shalt  }
0x80: {  	_ =	shalt  }
0x81: {  	_ =	shalt  }
0x82: {  	_ =	shalt  }
0x83: {  	_ =	shalt  }
0x84: {  	_ =	shalt  }
0x85: {  	_ =	shalt  }
0x86: {  	_ =	shalt  }
0x87: {  	_ =	shalt  }
.Lfunc_end0:
.L_simem_size_0:
called_computation_lowered:
.L_overlay_start_0:
0x88: {  	s2 =	sld [smem:$0x3FD9]  }
0x89: {  	s3 =	sld [smem:$0x3FFE];
	_ =	sdelay $0x1  }
0x8a: {  	s1 =	srdreg.scid  }
0x8b: {  	s0 =	sand.u32 $0x1, s1  }
0x8c: {  	s17 =	sshll.u32 s0, $0xA;
	s2 =	sadd.s32 s3, s2  }
0x8d: {  	s2 =	sadd.s32 s2, s17  }
0x8e: {  	[smem:$0x3FC7] =	sst s2  }
0x8f: {  	_ = 	snop  }
0x90: {  	s2 =	sld [smem:$0x3FD0];
	(tm) =	ssettm $0x1  }
0x91: {  	s18 =	sld [smem:$0x3FFB];
	_ =	sdelay $0x3  }
0x92: {  	_ =	strace s18  }
0x93: {  	s3 =	sld [smem:$0x3FFC];
	_ =	sdelay $0x3  }
0x94: {  	_ =	strace s3  }
0x95: {  	s3 =	sld [smem:$0x3FFD];
	_ =	sdelay $0x3  }
0x96: {  	_ =	strace s3  }
0x97: {  	_ =	strace $0x8FFFFFFF  }
0x98: {  	s19 =	sld [smem:$0x3FDB];
	_ =	sdelay $0x1  }
0x99: {  	s4 =	simm.s32 $_scs_section_size  }
0x9a: {  	s5 =	simm.s32 $_size__tile_overlayer_lowered;
	s6 =	simm.s32 $_tile_overlayer_lowered  }
0x9b: {  	s22 =	simm.s32 $0x1BFF;
	s21 =	sshll.u32 s6, $0x1;
	s3 =	sadd.s32 s4, s19  }
0x9c: {  	s7 =	simm.s32 $0x0;
	s20 =	sshll.u32 s5, $0x1;
	s5 =	sadd.s32 s21, s3  }
0x9d: {  	[timem:s7], [sflag:s22] =	dma.local [hbm:s5], s20  }
0x9e: {  	_ =	swait.ge [sflag:s22], s20  }
0x9f: {  	s4 =	ssub.s32 $0x0, s20;
	[sflag:s22] =	ssyncset.done $0x0  }
0xa0: {  	[sflag:s22] =	ssyncadd.s32 s4;
	_ =	sdelay $0x1  }
0xa1: {  	s23 =	simm.s32 $0x1B8B  }
0xa2: {  	_ =	swait.ge [sflag:s23], $0x1  }
0xa3: {  	[sflag:s23] =	ssyncset.done $0x0  }
0xa4: {  	s25 =	simm.s32 $0x1B8E;
	s24 =	sld [smem:$0x3FFE];
	[sflag:s23] =	ssyncadd.s32 $0xFFFFFFFF  }
0xa5: {  	s26 =	simm.s32 $execute0_lowered;
	[smem:$0x3FD2] =	sst s25  }
0xa6: {  	s5 =	sshll.u32 s26, $0x1;
	_ =	strace $0x80000046;
	[dreg:$0x1] =	wrdreg $0xFFFFFFFF  }
0xa7: {  	s28 =	simm.s32 $_size_execute0_lowered;
	s3 =	sadd.s32 s3, s5;
	[dreg:$0x0] =	wrdreg $0x0  }
0xa8: {  	s5 =	sshll.u32 s28, $0x1;
	[dreg:$0x2] =	wrdreg s3  }
0xa9: {  	[dreg:$0x3] =	wrdreg s5  }
0xaa: {  	[dreg:$0x4] =	wrdreg $0xC0  }
0xab: {  	_ =	task [dreg:s7], $0x5FFFF  }
0xac: {  	[dreg:$0x1] =	wrdreg $0xFFFFFFFF  }
0xad: {  	[dreg:$0x0] =	wrdreg $0x60  }
0xae: {  	[dreg:$0x2] =	wrdreg s2  }
0xaf: {  	[dreg:$0x3] =	wrdreg s24  }
0xb0: {  	[dreg:$0x4] =	wrdreg $0x9  }
0xb1: {  	_ =	task.clear_ibuf [dreg:s7], $0x5FFFF;
	_ =	strace $0x90000046  }
0xb2: {  	s29 =	simm.s32 $0x9;
	_ =	strace $0x80000048  }
0xb3: {  	_ =	swait.ge [sflag:s29], $0x1  }
0xb4: {  	[sflag:s29] =	ssyncadd.s32 $0xFFFFFFFF  }
0xb5: {  	_ =	strace $0x90000048  }
0xb6: {  	_ =	sfence  }
0xb7: {  	s30 =	sld [smem:$0x0];
	_ =	sdelay $0x2  }
0xb8: {  	s31 =	sshll.u32 s1, $0xD;
	s1 =	sshrl.u32 s1, $0x2  }
0xb9: {  	s3 =	sand.u32 $0x4000, s31;
	s1 =	sadd.s32 s1, s30  }
0xba: {  	s0 =	sor.u32 s3, s0;
	s1 =	sshll.u32 s1, $0x11  }
0xbb: {  	s0 =	sor.u32 s1, s0  }
0xbc: {  	s0 =	sadd.s32 $0x8F2B, s0  }
0xbd: {  	[sflag:s0] =	ssyncadd.remote.s32 $0x1  }
0xbe: {  	_ =	sfence.sel $0xFFFF  }
0xbf: {  	[dreg:$0x0] =	wrdreg $0xFFFFFFFF;
	(pc) =	sbr.abs _section_cstart, $3  }
0xc0: {  	[dreg:$0x1] =	wrdreg $0xFFFFFFFF  }
0xc1: {  	_ =	task.clear_ibuf [dreg:s7], $0x2FFFF;
	_ =	strace $0x9FFFFFFF  }
0xc2: {  	(tm) =	ssettm $0x7FFFFFFF  }
0xc3: {  	_ =	shalt  }
tec
execute0_lowered:
.L_overlay_start_1:
0x0: {  	(tag) =	ssettag $0x1  }
0x1: {  	s6 =	rddreg [dreg:$0x0]  }
0x2: {  	s0 =	srdreg.scid;
	s2 =	stileid.u32  }
0x3: {  	s1 =	rddreg [dreg:$0x1];
	s3 =	simm.s32 $0x0;
	s28 =	simm.s32 $0x3  }
0x4: {  	s29 =	simm.s32 $0x4;
	[smem:$0x7FF] =	sst s3;
	s24 =	sadd.s32 $0x4, s6  }
0x5: {  	s25 =	sadd.s32 $0x8, s6;
	_ =	strace $0x80000047;
	[dreg:$0x4] =	wrdreg s24  }
0x6: {  	s30 =	simm.s32 $0x0;
	s26 =	sadd.s32 $0xC, s6;
	[dreg:$0x5] =	wrdreg s25  }
0x7: {  	s0 =	sand.u32 $0x1, s0;
	s31 =	sadd.s32 $0x1C0, s6;
	[dreg:$0x6] =	wrdreg s26  }
0x8: {  	s2 =	sshll.u32 s2, $0x1;
	s8 =	sadd.s32 $0x380, s6;
	[dreg:$0x7] =	wrdreg s31  }
0x9: {  	s10 =	sadd.s32 $0x384, s6;
	s12 =	sadd.s32 $0x388, s6;
	[dreg:$0xc] =	wrdreg s8  }
0xa: {  	s2 =	sor.u32 s0, s2;
	s0 =	ssub.s32 $0x2, s0;
	[dreg:$0xd] =	wrdreg s10  }
0xb: {  	[dreg:$0xe] =	wrdreg s12;
	s25 =	sadd.s32 $0x38C, s6;
	s26 =	sadd.s32 $0x540, s6  }
0xc: {  	s31 =	sadd.s32 $0x544, s6;
	s8 =	simm.s32 $0x5;
	s10 =	simm.s32 $0x20  }
0xd: {  	s12 =	simm.s32 $0x80;
	s23 =	smul.u32 $0x15000, s2;
	[dreg:$0xf] =	wrdreg s25  }
0xe: {  	s4 =	sshrl.u32 s0, $0x1;
	s2 =	sshll.u32 s2, $0x1;
	[dreg:$0x10] =	wrdreg s26  }
0xf: {  	[dreg:$0x11] =	wrdreg s31;
	s25 =	simm.s32 $0x1;
	s26 =	simm.s32 $0x2  }
0x10: {  	s0 =	ssub.s32 s0, s4;
	s4 =	sadd.s32 $0x1CC, s6;
	s3 =	sadd.s32 s23, s1  }
0x11: {  	s1 =	sadd.s32 s1, s2;
	s0 =	smax.u32 s0, $0x1;
	[dreg:$0xb] =	wrdreg s4  }
0x12: {  	s2 =	sadd.s32 $0x1C4, s6;
	[dreg:$0x3] =	wrdreg s1;
	s5 =	sadd.s32 $0x200, s3  }
0x13: {  	s7 =	sadd.s32 $0x204, s3;
	s9 =	sadd.s32 $0x208, s3;
	s11 =	sadd.s32 $0x20C, s3  }
0x14: {  	s13 =	sadd.s32 $0x3C0, s3;
	s14 =	sadd.s32 $0x3C4, s3;
	s15 =	sadd.s32 $0x3C8, s3  }
0x15: {  	s16 =	sadd.s32 $0x3CC, s3;
	s17 =	sadd.s32 $0x580, s3;
	s18 =	sadd.s32 $0x584, s3  }
0x16: {  	s19 =	sadd.s32 $0x588, s3;
	s20 =	sadd.s32 $0x58C, s3;
	s21 =	sadd.s32 $0x740, s3  }
0x17: {  	s22 =	sadd.s32 $0x744, s3;
	s23 =	sadd.s32 $0x748, s3;
	[dreg:$0x8] =	wrdreg s0  }
0x18: {  	s24 =	sadd.s32 $0x74C, s3;
	[dreg:$0x9] =	wrdreg s2;
	s3 =	sadd.s32 $0x1C8, s6  }
0x19: {  	s4 =	sadd.s32 $0x548, s6;
	s6 =	sadd.s32 $0x54C, s6;
	[dreg:$0xa] =	wrdreg s3  }
.LBB2_1:
0x1a: {  	s0 =	simm.s32 $0x0;
	s1 =	rddreg [dreg:$0x3]  }
0x1b: {  	[tilespmem:s0], [sflag:$0x5] =	stream.linear.gather [hbm4b:s1+s0], $0x10, $0x38;
	[tilespmem:$0x15010] =	vst v63  }
0x1c: {  	_ =	swait.ge [sflag:s8], $0x10  }
0x1d: {  	[sflag:s8] =	ssyncset.done $0x0  }
0x1e: {  	[sflag:s8] =	ssyncadd.s32 $0xFFFFFFF0  }
0x1f: {  	v0 =	vld [tilespmem:$0x0];
	_ =	sdelay $0x4  }
0x20: {  	(v2sf) =	vpush v0, $0x0;
	_ =	sdelay $0xe  }
0x21: {  	s2 =	spop (v2sf)  }
0x22: {  	s0 =	smul.u32 $0xA8000, s2;
	_ =	sdelay $0x1  }
0x23: {  	s3 =	rddreg [dreg:$0x0];
	s0 =	sshrl.u32 s0, $0x3  }
0x24: {  	s1 =	simm.s32 $0x10;
	s31 =	sadd.s32 s3, s0  }
0x25: {  	s0 =	simm.s32 $0x700;
	s3 =	simm.s32 $0x390;
	s2 =	sadd.s32 $0x0, s31  }
.LBB2_2:
0x26: {  	[tilespmem:s1], [sflag:$0x1] =	stream.strided.gather [hbm4b:s2+s10], $0x380, s12, s10, $0x38;
	[tilespmem:$0x15010] =	vst v63  }
0x27: {  	s2 =	smov.u32 s0;
	s1 =	smov.u32 s3;
	p0 =	sne.s32 s0, $0x14900  }
.Ltmp0:
0x28: {  	s0 =	sadd.s32 $0x700, s0;
	(pc) =	sbr.rel @p0 .LBB2_2-.Ltmp0, $2  }
0x29: {  	_ =	sdelay $0x2  }
0x2a: {  	s3 =	sadd.s32 $0x380, s3;
	s2 =	sadd.s32 s2, s31  }
0x2b: {  	[tilespmem:s1], [sflag:$0x1] =	stream.strided.gather [hbm4b:s2+s10], $0x380, s12, s10, $0x38;
	[tilespmem:$0x15010] =	vst v63  }
0x2c: {  	_ =	swait.ge [sflag:s25], $0xA800  }
0x2d: {  	s31 =	simm.s32 $0x10;
	s0 =	simm.s32 $0x700;
	[sflag:s25] =	ssyncset.done $0x0  }
0x2e: {  	s3 =	sadd.s32 $0x0, s5;
	s1 =	simm.s32 $0x390;
	[sflag:s25] =	ssyncadd.s32 $0xFFFF5800  }
.LBB2_4:
0x2f: {  	[hbm4b:s3+s10] =	stream.strided.scatter [tilespmem:s31], [sflag:$0x3], $0x380, s12, s10, $0x38;
	[tilespmem:$0x15010] =	vst v63  }
0x30: {  	s2 =	smov.u32 s0;
	s31 =	smov.u32 s1;
	p0 =	sne.s32 s0, $0x14900  }
.Ltmp1:
0x31: {  	s0 =	sadd.s32 $0x700, s0;
	(pc) =	sbr.rel @p0 .LBB2_4-.Ltmp1, $2  }
0x32: {  	_ =	sdelay $0x2  }
0x33: {  	s1 =	sadd.s32 $0x380, s1;
	s3 =	sadd.s32 s2, s5  }
0x34: {  	(v2sf) =	vpush v0, $0x1;
	_ =	sdelay $0xe  }
0x35: {  	s0 =	spop (v2sf)  }
0x36: {  	s0 =	smul.u32 $0xA8000, s0  }
0x37: {  	[hbm4b:s3+s10] =	stream.strided.scatter [tilespmem:s31], [sflag:$0x3], $0x380, s12, s10, $0x38;
	[tilespmem:$0x15010] =	vst v63  }
0x38: {  	s1 =	rddreg [dreg:$0x4];
	s0 =	sshrl.u32 s0, $0x3  }
0x39: {  	s3 =	simm.s32 $0xAB90;
	s31 =	sadd.s32 s0, s1  }
0x3a: {  	s1 =	simm.s32 $0xA810;
	s0 =	simm.s32 $0x700;
	s2 =	sadd.s32 $0x0, s31  }
.LBB2_6:
0x3b: {  	[tilespmem:s1], [sflag:$0x2] =	stream.strided.gather [hbm4b:s2+s10], $0x380, s12, s10, $0x38;
	[tilespmem:$0x15010] =	vst v63  }
0x3c: {  	s2 =	smov.u32 s0;
	s1 =	smov.u32 s3;
	p0 =	sne.s32 s0, $0x14900  }
.Ltmp2:
0x3d: {  	s0 =	sadd.s32 $0x700, s0;
	(pc) =	sbr.rel @p0 .LBB2_6-.Ltmp2, $2  }
0x3e: {  	_ =	sdelay $0x2  }
0x3f: {  	s3 =	sadd.s32 $0x380, s3;
	s2 =	sadd.s32 s2, s31  }
0x40: {  	[tilespmem:s1], [sflag:$0x2] =	stream.strided.gather [hbm4b:s2+s10], $0x380, s12, s10, $0x38;
	[tilespmem:$0x15010] =	vst v63  }
0x41: {  	_ =	swait.ge [sflag:s26], $0xA800  }
0x42: {  	s1 =	simm.s32 $0xA810;
	s0 =	simm.s32 $0x700;
	[sflag:s26] =	ssyncset.done $0x0  }
0x43: {  	s2 =	sadd.s32 $0x0, s7;
	s3 =	simm.s32 $0xAB90;
	[sflag:s26] =	ssyncadd.s32 $0xFFFF5800  }
.LBB2_8:
0x44: {  	[hbm4b:s2+s10] =	stream.strided.scatter [tilespmem:s1], [sflag:$0x4], $0x380, s12, s10, $0x38;
	[tilespmem:$0x15010] =	vst v63  }
0x45: {  	s2 =	smov.u32 s0;
	s1 =	smov.u32 s3;
	p0 =	sne.s32 s0, $0x14900  }
.Ltmp3:
0x46: {  	s0 =	sadd.s32 $0x700, s0;
	(pc) =	sbr.rel @p0 .LBB2_8-.Ltmp3, $2  }
0x47: {  	_ =	sdelay $0x2  }
0x48: {  	s3 =	sadd.s32 $0x380, s3;
	s2 =	sadd.s32 s2, s7  }
0x49: {  	[hbm4b:s2+s10] =	stream.strided.scatter [tilespmem:s1], [sflag:$0x4], $0x380, s12, s10, $0x38;
	[tilespmem:$0x15010] =	vst v63  }
0x4a: {  	_ =	swait.ge [sflag:s28], $0xA800  }
0x4b: {  	[sflag:s28] =	ssyncset.done $0x0  }
0x4c: {  	[sflag:s28] =	ssyncadd.s32 $0xFFFF5800  }
0x4d: {  	_ =	swait.ge [sflag:s29], $0xA800  }
0x4e: {  	(v2sf) =	vpush v0, $0x2;
	_ =	sdelay $0xe  }
0x4f: {  	s0 =	spop (v2sf)  }
0x50: {  	s0 =	smul.u32 $0xA8000, s0;
	_ =	sdelay $0x1  }
0x51: {  	[sflag:s29] =	ssyncset.done $0x0;
	s3 =	rddreg [dreg:$0x5];
	s0 =	sshrl.u32 s0, $0x3  }
0x52: {  	s1 =	simm.s32 $0x10;
	[sflag:s29] =	ssyncadd.s32 $0xFFFF5800;
	s31 =	sadd.s32 s0, s3  }
0x53: {  	s0 =	simm.s32 $0x700;
	s3 =	simm.s32 $0x390;
	s2 =	sadd.s32 $0x0, s31  }
.LBB2_10:
0x54: {  	[tilespmem:s1], [sflag:$0x1] =	stream.strided.gather [hbm4b:s2+s10], $0x380, s12, s10, $0x38;
	[tilespmem:$0x15010] =	vst v63  }
0x55: {  	s2 =	smov.u32 s0;
	s1 =	smov.u32 s3;
	p0 =	sne.s32 s0, $0x14900  }
.Ltmp4:
0x56: {  	s0 =	sadd.s32 $0x700, s0;
	(pc) =	sbr.rel @p0 .LBB2_10-.Ltmp4, $2  }
0x57: {  	_ =	sdelay $0x2  }
0x58: {  	s3 =	sadd.s32 $0x380, s3;
	s2 =	sadd.s32 s2, s31  }
0x59: {  	[tilespmem:s1], [sflag:$0x1] =	stream.strided.gather [hbm4b:s2+s10], $0x380, s12, s10, $0x38;
	[tilespmem:$0x15010] =	vst v63  }
0x5a: {  	_ =	swait.ge [sflag:s25], $0xA800  }
0x5b: {  	s31 =	simm.s32 $0x10;
	s0 =	simm.s32 $0x700;
	[sflag:s25] =	ssyncset.done $0x0  }
0x5c: {  	s3 =	sadd.s32 $0x0, s9;
	s1 =	simm.s32 $0x390;
	[sflag:s25] =	ssyncadd.s32 $0xFFFF5800  }
.LBB2_12:
0x5d: {  	[hbm4b:s3+s10] =	stream.strided.scatter [tilespmem:s31], [sflag:$0x3], $0x380, s12, s10, $0x38;
	[tilespmem:$0x15010] =	vst v63  }
0x5e: {  	s2 =	smov.u32 s0;
	s31 =	smov.u32 s1;
	p0 =	sne.s32 s0, $0x14900  }
.Ltmp5:
0x5f: {  	s0 =	sadd.s32 $0x700, s0;
	(pc) =	sbr.rel @p0 .LBB2_12-.Ltmp5, $2  }
0x60: {  	_ =	sdelay $0x2  }
0x61: {  	s1 =	sadd.s32 $0x380, s1;
	s3 =	sadd.s32 s2, s9  }
0x62: {  	(v2sf) =	vpush v0, $0x3;
	_ =	sdelay $0xe  }
0x63: {  	s0 =	spop (v2sf)  }
0x64: {  	s0 =	smul.u32 $0xA8000, s0  }
0x65: {  	[hbm4b:s3+s10] =	stream.strided.scatter [tilespmem:s31], [sflag:$0x3], $0x380, s12, s10, $0x38;
	[tilespmem:$0x15010] =	vst v63  }
0x66: {  	s1 =	rddreg [dreg:$0x6];
	s0 =	sshrl.u32 s0, $0x3  }
0x67: {  	s3 =	simm.s32 $0xAB90;
	s31 =	sadd.s32 s0, s1  }
0x68: {  	s1 =	simm.s32 $0xA810;
	s0 =	simm.s32 $0x700;
	s2 =	sadd.s32 $0x0, s31  }
.LBB2_14:
0x69: {  	[tilespmem:s1], [sflag:$0x2] =	stream.strided.gather [hbm4b:s2+s10], $0x380, s12, s10, $0x38;
	[tilespmem:$0x15010] =	vst v63  }
0x6a: {  	s2 =	smov.u32 s0;
	s1 =	smov.u32 s3;
	p0 =	sne.s32 s0, $0x14900  }
.Ltmp6:
0x6b: {  	s0 =	sadd.s32 $0x700, s0;
	(pc) =	sbr.rel @p0 .LBB2_14-.Ltmp6, $2  }
0x6c: {  	_ =	sdelay $0x2  }
0x6d: {  	s3 =	sadd.s32 $0x380, s3;
	s2 =	sadd.s32 s2, s31  }
0x6e: {  	[tilespmem:s1], [sflag:$0x2] =	stream.strided.gather [hbm4b:s2+s10], $0x380, s12, s10, $0x38;
	[tilespmem:$0x15010] =	vst v63  }
0x6f: {  	_ =	swait.ge [sflag:s26], $0xA800  }
0x70: {  	s1 =	simm.s32 $0xA810;
	s0 =	simm.s32 $0x700;
	[sflag:s26] =	ssyncset.done $0x0  }
0x71: {  	s2 =	sadd.s32 $0x0, s11;
	s3 =	simm.s32 $0xAB90;
	[sflag:s26] =	ssyncadd.s32 $0xFFFF5800  }
.LBB2_16:
0x72: {  	[hbm4b:s2+s10] =	stream.strided.scatter [tilespmem:s1], [sflag:$0x4], $0x380, s12, s10, $0x38;
	[tilespmem:$0x15010] =	vst v63  }
0x73: {  	s2 =	smov.u32 s0;
	s1 =	smov.u32 s3;
	p0 =	sne.s32 s0, $0x14900  }
.Ltmp7:
0x74: {  	s0 =	sadd.s32 $0x700, s0;
	(pc) =	sbr.rel @p0 .LBB2_16-.Ltmp7, $2  }
0x75: {  	_ =	sdelay $0x2  }
0x76: {  	s3 =	sadd.s32 $0x380, s3;
	s2 =	sadd.s32 s2, s11  }
0x77: {  	[hbm4b:s2+s10] =	stream.strided.scatter [tilespmem:s1], [sflag:$0x4], $0x380, s12, s10, $0x38;
	[tilespmem:$0x15010] =	vst v63  }
0x78: {  	_ =	swait.ge [sflag:s28], $0xA800  }
0x79: {  	[sflag:s28] =	ssyncset.done $0x0  }
0x7a: {  	[sflag:s28] =	ssyncadd.s32 $0xFFFF5800  }
0x7b: {  	_ =	swait.ge [sflag:s29], $0xA800  }
0x7c: {  	(v2sf) =	vpush v0, $0x4;
	_ =	sdelay $0xe  }
0x7d: {  	s0 =	spop (v2sf)  }
0x7e: {  	s0 =	smul.u32 $0xA8000, s0;
	_ =	sdelay $0x1  }
0x7f: {  	[sflag:s29] =	ssyncset.done $0x0;
	s3 =	rddreg [dreg:$0x7];
	s0 =	sshrl.u32 s0, $0x3  }
0x80: {  	s1 =	simm.s32 $0x10;
	[sflag:s29] =	ssyncadd.s32 $0xFFFF5800;
	s31 =	sadd.s32 s0, s3  }
0x81: {  	s0 =	simm.s32 $0x700;
	s3 =	simm.s32 $0x390;
	s2 =	sadd.s32 $0x0, s31  }
.LBB2_18:
0x82: {  	[tilespmem:s1], [sflag:$0x1] =	stream.strided.gather [hbm4b:s2+s10], $0x380, s12, s10, $0x38;
	[tilespmem:$0x15010] =	vst v63  }
0x83: {  	s2 =	smov.u32 s0;
	s1 =	smov.u32 s3;
	p0 =	sne.s32 s0, $0x14900  }
.Ltmp8:
0x84: {  	s0 =	sadd.s32 $0x700, s0;
	(pc) =	sbr.rel @p0 .LBB2_18-.Ltmp8, $2  }
0x85: {  	_ =	sdelay $0x2  }
0x86: {  	s3 =	sadd.s32 $0x380, s3;
	s2 =	sadd.s32 s2, s31  }
0x87: {  	[tilespmem:s1], [sflag:$0x1] =	stream.strided.gather [hbm4b:s2+s10], $0x380, s12, s10, $0x38;
	[tilespmem:$0x15010] =	vst v63  }
0x88: {  	_ =	swait.ge [sflag:s25], $0xA800  }
0x89: {  	s31 =	simm.s32 $0x10;
	s0 =	simm.s32 $0x700;
	[sflag:s25] =	ssyncset.done $0x0  }
0x8a: {  	s3 =	sadd.s32 $0x0, s13;
	s1 =	simm.s32 $0x390;
	[sflag:s25] =	ssyncadd.s32 $0xFFFF5800  }
.LBB2_20:
0x8b: {  	[hbm4b:s3+s10] =	stream.strided.scatter [tilespmem:s31], [sflag:$0x3], $0x380, s12, s10, $0x38;
	[tilespmem:$0x15010] =	vst v63  }
0x8c: {  	s2 =	smov.u32 s0;
	s31 =	smov.u32 s1;
	p0 =	sne.s32 s0, $0x14900  }
.Ltmp9:
0x8d: {  	s0 =	sadd.s32 $0x700, s0;
	(pc) =	sbr.rel @p0 .LBB2_20-.Ltmp9, $2  }
0x8e: {  	_ =	sdelay $0x2  }
0x8f: {  	s1 =	sadd.s32 $0x380, s1;
	s3 =	sadd.s32 s2, s13  }
0x90: {  	(v2sf) =	vpush v0, $0x5;
	_ =	sdelay $0xe  }
0x91: {  	s0 =	spop (v2sf)  }
0x92: {  	s0 =	smul.u32 $0xA8000, s0  }
0x93: {  	[hbm4b:s3+s10] =	stream.strided.scatter [tilespmem:s31], [sflag:$0x3], $0x380, s12, s10, $0x38;
	[tilespmem:$0x15010] =	vst v63  }
0x94: {  	s1 =	rddreg [dreg:$0x9];
	s0 =	sshrl.u32 s0, $0x3  }
0x95: {  	s3 =	simm.s32 $0xAB90;
	s31 =	sadd.s32 s0, s1  }
0x96: {  	s1 =	simm.s32 $0xA810;
	s0 =	simm.s32 $0x700;
	s2 =	sadd.s32 $0x0, s31  }
.LBB2_22:
0x97: {  	[tilespmem:s1], [sflag:$0x2] =	stream.strided.gather [hbm4b:s2+s10], $0x380, s12, s10, $0x38;
	[tilespmem:$0x15010] =	vst v63  }
0x98: {  	s2 =	smov.u32 s0;
	s1 =	smov.u32 s3;
	p0 =	sne.s32 s0, $0x14900  }
.Ltmp10:
0x99: {  	s0 =	sadd.s32 $0x700, s0;
	(pc) =	sbr.rel @p0 .LBB2_22-.Ltmp10, $2  }
0x9a: {  	_ =	sdelay $0x2  }
0x9b: {  	s3 =	sadd.s32 $0x380, s3;
	s2 =	sadd.s32 s2, s31  }
0x9c: {  	[tilespmem:s1], [sflag:$0x2] =	stream.strided.gather [hbm4b:s2+s10], $0x380, s12, s10, $0x38;
	[tilespmem:$0x15010] =	vst v63  }
0x9d: {  	_ =	swait.ge [sflag:s26], $0xA800  }
0x9e: {  	s1 =	simm.s32 $0xA810;
	s0 =	simm.s32 $0x700;
	[sflag:s26] =	ssyncset.done $0x0  }
0x9f: {  	s2 =	sadd.s32 $0x0, s14;
	s3 =	simm.s32 $0xAB90;
	[sflag:s26] =	ssyncadd.s32 $0xFFFF5800  }
.LBB2_24:
0xa0: {  	[hbm4b:s2+s10] =	stream.strided.scatter [tilespmem:s1], [sflag:$0x4], $0x380, s12, s10, $0x38;
	[tilespmem:$0x15010] =	vst v63  }
0xa1: {  	s2 =	smov.u32 s0;
	s1 =	smov.u32 s3;
	p0 =	sne.s32 s0, $0x14900  }
.Ltmp11:
0xa2: {  	s0 =	sadd.s32 $0x700, s0;
	(pc) =	sbr.rel @p0 .LBB2_24-.Ltmp11, $2  }
0xa3: {  	_ =	sdelay $0x2  }
0xa4: {  	s3 =	sadd.s32 $0x380, s3;
	s2 =	sadd.s32 s2, s14  }
0xa5: {  	[hbm4b:s2+s10] =	stream.strided.scatter [tilespmem:s1], [sflag:$0x4], $0x380, s12, s10, $0x38;
	[tilespmem:$0x15010] =	vst v63  }
0xa6: {  	_ =	swait.ge [sflag:s28], $0xA800  }
0xa7: {  	[sflag:s28] =	ssyncset.done $0x0  }
0xa8: {  	[sflag:s28] =	ssyncadd.s32 $0xFFFF5800  }
0xa9: {  	_ =	swait.ge [sflag:s29], $0xA800  }
0xaa: {  	(v2sf) =	vpush v0, $0x6;
	_ =	sdelay $0xe  }
0xab: {  	s0 =	spop (v2sf)  }
0xac: {  	s0 =	smul.u32 $0xA8000, s0;
	_ =	sdelay $0x1  }
0xad: {  	[sflag:s29] =	ssyncset.done $0x0;
	s3 =	rddreg [dreg:$0xa];
	s0 =	sshrl.u32 s0, $0x3  }
0xae: {  	s1 =	simm.s32 $0x10;
	[sflag:s29] =	ssyncadd.s32 $0xFFFF5800;
	s31 =	sadd.s32 s0, s3  }
0xaf: {  	s0 =	simm.s32 $0x700;
	s3 =	simm.s32 $0x390;
	s2 =	sadd.s32 $0x0, s31  }
.LBB2_26:
0xb0: {  	[tilespmem:s1], [sflag:$0x1] =	stream.strided.gather [hbm4b:s2+s10], $0x380, s12, s10, $0x38;
	[tilespmem:$0x15010] =	vst v63  }
0xb1: {  	s2 =	smov.u32 s0;
	s1 =	smov.u32 s3;
	p0 =	sne.s32 s0, $0x14900  }
.Ltmp12:
0xb2: {  	s0 =	sadd.s32 $0x700, s0;
	(pc) =	sbr.rel @p0 .LBB2_26-.Ltmp12, $2  }
0xb3: {  	_ =	sdelay $0x2  }
0xb4: {  	s3 =	sadd.s32 $0x380, s3;
	s2 =	sadd.s32 s2, s31  }
0xb5: {  	[tilespmem:s1], [sflag:$0x1] =	stream.strided.gather [hbm4b:s2+s10], $0x380, s12, s10, $0x38;
	[tilespmem:$0x15010] =	vst v63  }
0xb6: {  	_ =	swait.ge [sflag:s25], $0xA800  }
0xb7: {  	s31 =	simm.s32 $0x10;
	s0 =	simm.s32 $0x700;
	[sflag:s25] =	ssyncset.done $0x0  }
0xb8: {  	s3 =	sadd.s32 $0x0, s15;
	s1 =	simm.s32 $0x390;
	[sflag:s25] =	ssyncadd.s32 $0xFFFF5800  }
.LBB2_28:
0xb9: {  	[hbm4b:s3+s10] =	stream.strided.scatter [tilespmem:s31], [sflag:$0x3], $0x380, s12, s10, $0x38;
	[tilespmem:$0x15010] =	vst v63  }
0xba: {  	s2 =	smov.u32 s0;
	s31 =	smov.u32 s1;
	p0 =	sne.s32 s0, $0x14900  }
.Ltmp13:
0xbb: {  	s0 =	sadd.s32 $0x700, s0;
	(pc) =	sbr.rel @p0 .LBB2_28-.Ltmp13, $2  }
0xbc: {  	_ =	sdelay $0x2  }
0xbd: {  	s1 =	sadd.s32 $0x380, s1;
	s3 =	sadd.s32 s2, s15  }
0xbe: {  	(v2sf) =	vpush v0, $0x7;
	_ =	sdelay $0xe  }
0xbf: {  	s0 =	spop (v2sf)  }
0xc0: {  	s0 =	smul.u32 $0xA8000, s0  }
0xc1: {  	[hbm4b:s3+s10] =	stream.strided.scatter [tilespmem:s31], [sflag:$0x3], $0x380, s12, s10, $0x38;
	[tilespmem:$0x15010] =	vst v63  }
0xc2: {  	s1 =	rddreg [dreg:$0xb];
	s0 =	sshrl.u32 s0, $0x3  }
0xc3: {  	s3 =	simm.s32 $0xAB90;
	s31 =	sadd.s32 s0, s1  }
0xc4: {  	s1 =	simm.s32 $0xA810;
	s0 =	simm.s32 $0x700;
	s2 =	sadd.s32 $0x0, s31  }
.LBB2_30:
0xc5: {  	[tilespmem:s1], [sflag:$0x2] =	stream.strided.gather [hbm4b:s2+s10], $0x380, s12, s10, $0x38;
	[tilespmem:$0x15010] =	vst v63  }
0xc6: {  	s2 =	smov.u32 s0;
	s1 =	smov.u32 s3;
	p0 =	sne.s32 s0, $0x14900  }
.Ltmp14:
0xc7: {  	s0 =	sadd.s32 $0x700, s0;
	(pc) =	sbr.rel @p0 .LBB2_30-.Ltmp14, $2  }
0xc8: {  	_ =	sdelay $0x2  }
0xc9: {  	s3 =	sadd.s32 $0x380, s3;
	s2 =	sadd.s32 s2, s31  }
0xca: {  	[tilespmem:s1], [sflag:$0x2] =	stream.strided.gather [hbm4b:s2+s10], $0x380, s12, s10, $0x38;
	[tilespmem:$0x15010] =	vst v63  }
0xcb: {  	_ =	swait.ge [sflag:s26], $0xA800  }
0xcc: {  	s1 =	simm.s32 $0xA810;
	s0 =	simm.s32 $0x700;
	[sflag:s26] =	ssyncset.done $0x0  }
0xcd: {  	s2 =	sadd.s32 $0x0, s16;
	s3 =	simm.s32 $0xAB90;
	[sflag:s26] =	ssyncadd.s32 $0xFFFF5800  }
.LBB2_32:
0xce: {  	[hbm4b:s2+s10] =	stream.strided.scatter [tilespmem:s1], [sflag:$0x4], $0x380, s12, s10, $0x38;
	[tilespmem:$0x15010] =	vst v63  }
0xcf: {  	s2 =	smov.u32 s0;
	s1 =	smov.u32 s3;
	p0 =	sne.s32 s0, $0x14900  }
.Ltmp15:
0xd0: {  	s0 =	sadd.s32 $0x700, s0;
	(pc) =	sbr.rel @p0 .LBB2_32-.Ltmp15, $2  }
0xd1: {  	_ =	sdelay $0x2  }
0xd2: {  	s3 =	sadd.s32 $0x380, s3;
	s2 =	sadd.s32 s2, s16  }
0xd3: {  	[hbm4b:s2+s10] =	stream.strided.scatter [tilespmem:s1], [sflag:$0x4], $0x380, s12, s10, $0x38;
	[tilespmem:$0x15010] =	vst v63  }
0xd4: {  	_ =	swait.ge [sflag:s28], $0xA800  }
0xd5: {  	[sflag:s28] =	ssyncset.done $0x0  }
0xd6: {  	[sflag:s28] =	ssyncadd.s32 $0xFFFF5800  }
0xd7: {  	_ =	swait.ge [sflag:s29], $0xA800  }
0xd8: {  	(v2sf) =	vpush v0, $0x8;
	_ =	sdelay $0xe  }
0xd9: {  	s0 =	spop (v2sf)  }
0xda: {  	s0 =	smul.u32 $0xA8000, s0;
	_ =	sdelay $0x1  }
0xdb: {  	[sflag:s29] =	ssyncset.done $0x0;
	s3 =	rddreg [dreg:$0xc];
	s0 =	sshrl.u32 s0, $0x3  }
0xdc: {  	s1 =	simm.s32 $0x10;
	[sflag:s29] =	ssyncadd.s32 $0xFFFF5800;
	s31 =	sadd.s32 s0, s3  }
0xdd: {  	s0 =	simm.s32 $0x700;
	s3 =	simm.s32 $0x390;
	s2 =	sadd.s32 $0x0, s31  }
.LBB2_34:
0xde: {  	[tilespmem:s1], [sflag:$0x1] =	stream.strided.gather [hbm4b:s2+s10], $0x380, s12, s10, $0x38;
	[tilespmem:$0x15010] =	vst v63  }
0xdf: {  	s2 =	smov.u32 s0;
	s1 =	smov.u32 s3;
	p0 =	sne.s32 s0, $0x14900  }
.Ltmp16:
0xe0: {  	s0 =	sadd.s32 $0x700, s0;
	(pc) =	sbr.rel @p0 .LBB2_34-.Ltmp16, $2  }
0xe1: {  	_ =	sdelay $0x2  }
0xe2: {  	s3 =	sadd.s32 $0x380, s3;
	s2 =	sadd.s32 s2, s31  }
0xe3: {  	[tilespmem:s1], [sflag:$0x1] =	stream.strided.gather [hbm4b:s2+s10], $0x380, s12, s10, $0x38;
	[tilespmem:$0x15010] =	vst v63  }
0xe4: {  	_ =	swait.ge [sflag:s25], $0xA800  }
0xe5: {  	s31 =	simm.s32 $0x10;
	s0 =	simm.s32 $0x700;
	[sflag:s25] =	ssyncset.done $0x0  }
0xe6: {  	s3 =	sadd.s32 $0x0, s17;
	s1 =	simm.s32 $0x390;
	[sflag:s25] =	ssyncadd.s32 $0xFFFF5800  }
.LBB2_36:
0xe7: {  	[hbm4b:s3+s10] =	stream.strided.scatter [tilespmem:s31], [sflag:$0x3], $0x380, s12, s10, $0x38;
	[tilespmem:$0x15010] =	vst v63  }
0xe8: {  	s2 =	smov.u32 s0;
	s31 =	smov.u32 s1;
	p0 =	sne.s32 s0, $0x14900  }
.Ltmp17:
0xe9: {  	s0 =	sadd.s32 $0x700, s0;
	(pc) =	sbr.rel @p0 .LBB2_36-.Ltmp17, $2  }
0xea: {  	_ =	sdelay $0x2  }
0xeb: {  	s1 =	sadd.s32 $0x380, s1;
	s3 =	sadd.s32 s2, s17  }
0xec: {  	(v2sf) =	vpush v0, $0x9;
	_ =	sdelay $0xe  }
0xed: {  	s0 =	spop (v2sf)  }
0xee: {  	s0 =	smul.u32 $0xA8000, s0  }
0xef: {  	[hbm4b:s3+s10] =	stream.strided.scatter [tilespmem:s31], [sflag:$0x3], $0x380, s12, s10, $0x38;
	[tilespmem:$0x15010] =	vst v63  }
0xf0: {  	s1 =	rddreg [dreg:$0xd];
	s0 =	sshrl.u32 s0, $0x3  }
0xf1: {  	s3 =	simm.s32 $0xAB90;
	s31 =	sadd.s32 s0, s1  }
0xf2: {  	s1 =	simm.s32 $0xA810;
	s0 =	simm.s32 $0x700;
	s2 =	sadd.s32 $0x0, s31  }
.LBB2_38:
0xf3: {  	[tilespmem:s1], [sflag:$0x2] =	stream.strided.gather [hbm4b:s2+s10], $0x380, s12, s10, $0x38;
	[tilespmem:$0x15010] =	vst v63  }
0xf4: {  	s2 =	smov.u32 s0;
	s1 =	smov.u32 s3;
	p0 =	sne.s32 s0, $0x14900  }
.Ltmp18:
0xf5: {  	s0 =	sadd.s32 $0x700, s0;
	(pc) =	sbr.rel @p0 .LBB2_38-.Ltmp18, $2  }
0xf6: {  	_ =	sdelay $0x2  }
0xf7: {  	s3 =	sadd.s32 $0x380, s3;
	s2 =	sadd.s32 s2, s31  }
0xf8: {  	[tilespmem:s1], [sflag:$0x2] =	stream.strided.gather [hbm4b:s2+s10], $0x380, s12, s10, $0x38;
	[tilespmem:$0x15010] =	vst v63  }
0xf9: {  	_ =	swait.ge [sflag:s26], $0xA800  }
0xfa: {  	s1 =	simm.s32 $0xA810;
	s0 =	simm.s32 $0x700;
	[sflag:s26] =	ssyncset.done $0x0  }
0xfb: {  	s2 =	sadd.s32 $0x0, s18;
	s3 =	simm.s32 $0xAB90;
	[sflag:s26] =	ssyncadd.s32 $0xFFFF5800  }
.LBB2_40:
0xfc: {  	[hbm4b:s2+s10] =	stream.strided.scatter [tilespmem:s1], [sflag:$0x4], $0x380, s12, s10, $0x38;
	[tilespmem:$0x15010] =	vst v63  }
0xfd: {  	s2 =	smov.u32 s0;
	s1 =	smov.u32 s3;
	p0 =	sne.s32 s0, $0x14900  }
.Ltmp19:
0xfe: {  	s0 =	sadd.s32 $0x700, s0;
	(pc) =	sbr.rel @p0 .LBB2_40-.Ltmp19, $2  }
0xff: {  	_ =	sdelay $0x2  }
0x100: {  	s3 =	sadd.s32 $0x380, s3;
	s2 =	sadd.s32 s2, s18  }
0x101: {  	[hbm4b:s2+s10] =	stream.strided.scatter [tilespmem:s1], [sflag:$0x4], $0x380, s12, s10, $0x38;
	[tilespmem:$0x15010] =	vst v63  }
0x102: {  	_ =	swait.ge [sflag:s28], $0xA800  }
0x103: {  	[sflag:s28] =	ssyncset.done $0x0  }
0x104: {  	[sflag:s28] =	ssyncadd.s32 $0xFFFF5800  }
0x105: {  	_ =	swait.ge [sflag:s29], $0xA800  }
0x106: {  	(v2sf) =	vpush v0, $0xA;
	_ =	sdelay $0xe  }
0x107: {  	s0 =	spop (v2sf)  }
0x108: {  	s0 =	smul.u32 $0xA8000, s0;
	_ =	sdelay $0x1  }
0x109: {  	[sflag:s29] =	ssyncset.done $0x0;
	s3 =	rddreg [dreg:$0xe];
	s0 =	sshrl.u32 s0, $0x3  }
0x10a: {  	s1 =	simm.s32 $0x10;
	[sflag:s29] =	ssyncadd.s32 $0xFFFF5800;
	s31 =	sadd.s32 s0, s3  }
0x10b: {  	s0 =	simm.s32 $0x700;
	s3 =	simm.s32 $0x390;
	s2 =	sadd.s32 $0x0, s31  }
.LBB2_42:
0x10c: {  	[tilespmem:s1], [sflag:$0x1] =	stream.strided.gather [hbm4b:s2+s10], $0x380, s12, s10, $0x38;
	[tilespmem:$0x15010] =	vst v63  }
0x10d: {  	s2 =	smov.u32 s0;
	s1 =	smov.u32 s3;
	p0 =	sne.s32 s0, $0x14900  }
.Ltmp20:
0x10e: {  	s0 =	sadd.s32 $0x700, s0;
	(pc) =	sbr.rel @p0 .LBB2_42-.Ltmp20, $2  }
0x10f: {  	_ =	sdelay $0x2  }
0x110: {  	s3 =	sadd.s32 $0x380, s3;
	s2 =	sadd.s32 s2, s31  }
0x111: {  	[tilespmem:s1], [sflag:$0x1] =	stream.strided.gather [hbm4b:s2+s10], $0x380, s12, s10, $0x38;
	[tilespmem:$0x15010] =	vst v63  }
0x112: {  	_ =	swait.ge [sflag:s25], $0xA800  }
0x113: {  	s31 =	simm.s32 $0x10;
	s0 =	simm.s32 $0x700;
	[sflag:s25] =	ssyncset.done $0x0  }
0x114: {  	s3 =	sadd.s32 $0x0, s19;
	s1 =	simm.s32 $0x390;
	[sflag:s25] =	ssyncadd.s32 $0xFFFF5800  }
.LBB2_44:
0x115: {  	[hbm4b:s3+s10] =	stream.strided.scatter [tilespmem:s31], [sflag:$0x3], $0x380, s12, s10, $0x38;
	[tilespmem:$0x15010] =	vst v63  }
0x116: {  	s2 =	smov.u32 s0;
	s31 =	smov.u32 s1;
	p0 =	sne.s32 s0, $0x14900  }
.Ltmp21:
0x117: {  	s0 =	sadd.s32 $0x700, s0;
	(pc) =	sbr.rel @p0 .LBB2_44-.Ltmp21, $2  }
0x118: {  	_ =	sdelay $0x2  }
0x119: {  	s1 =	sadd.s32 $0x380, s1;
	s3 =	sadd.s32 s2, s19  }
0x11a: {  	(v2sf) =	vpush v0, $0xB;
	_ =	sdelay $0xe  }
0x11b: {  	s0 =	spop (v2sf)  }
0x11c: {  	s0 =	smul.u32 $0xA8000, s0  }
0x11d: {  	[hbm4b:s3+s10] =	stream.strided.scatter [tilespmem:s31], [sflag:$0x3], $0x380, s12, s10, $0x38;
	[tilespmem:$0x15010] =	vst v63  }
0x11e: {  	s1 =	rddreg [dreg:$0xf];
	s0 =	sshrl.u32 s0, $0x3  }
0x11f: {  	s3 =	simm.s32 $0xAB90;
	s31 =	sadd.s32 s0, s1  }
0x120: {  	s1 =	simm.s32 $0xA810;
	s0 =	simm.s32 $0x700;
	s2 =	sadd.s32 $0x0, s31  }
.LBB2_46:
0x121: {  	[tilespmem:s1], [sflag:$0x2] =	stream.strided.gather [hbm4b:s2+s10], $0x380, s12, s10, $0x38;
	[tilespmem:$0x15010] =	vst v63  }
0x122: {  	s2 =	smov.u32 s0;
	s1 =	smov.u32 s3;
	p0 =	sne.s32 s0, $0x14900  }
.Ltmp22:
0x123: {  	s0 =	sadd.s32 $0x700, s0;
	(pc) =	sbr.rel @p0 .LBB2_46-.Ltmp22, $2  }
0x124: {  	_ =	sdelay $0x2  }
0x125: {  	s3 =	sadd.s32 $0x380, s3;
	s2 =	sadd.s32 s2, s31  }
0x126: {  	[tilespmem:s1], [sflag:$0x2] =	stream.strided.gather [hbm4b:s2+s10], $0x380, s12, s10, $0x38;
	[tilespmem:$0x15010] =	vst v63  }
0x127: {  	_ =	swait.ge [sflag:s26], $0xA800  }
0x128: {  	s1 =	simm.s32 $0xA810;
	s0 =	simm.s32 $0x700;
	[sflag:s26] =	ssyncset.done $0x0  }
0x129: {  	s2 =	sadd.s32 $0x0, s20;
	s3 =	simm.s32 $0xAB90;
	[sflag:s26] =	ssyncadd.s32 $0xFFFF5800  }
.LBB2_48:
0x12a: {  	[hbm4b:s2+s10] =	stream.strided.scatter [tilespmem:s1], [sflag:$0x4], $0x380, s12, s10, $0x38;
	[tilespmem:$0x15010] =	vst v63  }
0x12b: {  	s2 =	smov.u32 s0;
	s1 =	smov.u32 s3;
	p0 =	sne.s32 s0, $0x14900  }
.Ltmp23:
0x12c: {  	s0 =	sadd.s32 $0x700, s0;
	(pc) =	sbr.rel @p0 .LBB2_48-.Ltmp23, $2  }
0x12d: {  	_ =	sdelay $0x2  }
0x12e: {  	s3 =	sadd.s32 $0x380, s3;
	s2 =	sadd.s32 s2, s20  }
0x12f: {  	[hbm4b:s2+s10] =	stream.strided.scatter [tilespmem:s1], [sflag:$0x4], $0x380, s12, s10, $0x38;
	[tilespmem:$0x15010] =	vst v63  }
0x130: {  	_ =	swait.ge [sflag:s28], $0xA800  }
0x131: {  	[sflag:s28] =	ssyncset.done $0x0  }
0x132: {  	[sflag:s28] =	ssyncadd.s32 $0xFFFF5800  }
0x133: {  	_ =	swait.ge [sflag:s29], $0xA800  }
0x134: {  	(v2sf) =	vpush v0, $0xC;
	_ =	sdelay $0xe  }
0x135: {  	s0 =	spop (v2sf)  }
0x136: {  	s0 =	smul.u32 $0xA8000, s0;
	_ =	sdelay $0x1  }
0x137: {  	[sflag:s29] =	ssyncset.done $0x0;
	s3 =	rddreg [dreg:$0x10];
	s0 =	sshrl.u32 s0, $0x3  }
0x138: {  	s1 =	simm.s32 $0x10;
	[sflag:s29] =	ssyncadd.s32 $0xFFFF5800;
	s31 =	sadd.s32 s0, s3  }
0x139: {  	s0 =	simm.s32 $0x700;
	s3 =	simm.s32 $0x390;
	s2 =	sadd.s32 $0x0, s31  }
.LBB2_50:
0x13a: {  	[tilespmem:s1], [sflag:$0x1] =	stream.strided.gather [hbm4b:s2+s10], $0x380, s12, s10, $0x38;
	[tilespmem:$0x15010] =	vst v63  }
0x13b: {  	s2 =	smov.u32 s0;
	s1 =	smov.u32 s3;
	p0 =	sne.s32 s0, $0x14900  }
.Ltmp24:
0x13c: {  	s0 =	sadd.s32 $0x700, s0;
	(pc) =	sbr.rel @p0 .LBB2_50-.Ltmp24, $2  }
0x13d: {  	_ =	sdelay $0x2  }
0x13e: {  	s3 =	sadd.s32 $0x380, s3;
	s2 =	sadd.s32 s2, s31  }
0x13f: {  	[tilespmem:s1], [sflag:$0x1] =	stream.strided.gather [hbm4b:s2+s10], $0x380, s12, s10, $0x38;
	[tilespmem:$0x15010] =	vst v63  }
0x140: {  	_ =	swait.ge [sflag:s25], $0xA800  }
0x141: {  	s31 =	simm.s32 $0x10;
	s0 =	simm.s32 $0x700;
	[sflag:s25] =	ssyncset.done $0x0  }
0x142: {  	s3 =	sadd.s32 $0x0, s21;
	s1 =	simm.s32 $0x390;
	[sflag:s25] =	ssyncadd.s32 $0xFFFF5800  }
.LBB2_52:
0x143: {  	[hbm4b:s3+s10] =	stream.strided.scatter [tilespmem:s31], [sflag:$0x3], $0x380, s12, s10, $0x38;
	[tilespmem:$0x15010] =	vst v63  }
0x144: {  	s2 =	smov.u32 s0;
	s31 =	smov.u32 s1;
	p0 =	sne.s32 s0, $0x14900  }
.Ltmp25:
0x145: {  	s0 =	sadd.s32 $0x700, s0;
	(pc) =	sbr.rel @p0 .LBB2_52-.Ltmp25, $2  }
0x146: {  	_ =	sdelay $0x2  }
0x147: {  	s1 =	sadd.s32 $0x380, s1;
	s3 =	sadd.s32 s2, s21  }
0x148: {  	(v2sf) =	vpush v0, $0xD;
	_ =	sdelay $0xe  }
0x149: {  	s0 =	spop (v2sf)  }
0x14a: {  	s0 =	smul.u32 $0xA8000, s0  }
0x14b: {  	[hbm4b:s3+s10] =	stream.strided.scatter [tilespmem:s31], [sflag:$0x3], $0x380, s12, s10, $0x38;
	[tilespmem:$0x15010] =	vst v63  }
0x14c: {  	s1 =	rddreg [dreg:$0x11];
	s0 =	sshrl.u32 s0, $0x3  }
0x14d: {  	s3 =	simm.s32 $0xAB90;
	s31 =	sadd.s32 s0, s1  }
0x14e: {  	s1 =	simm.s32 $0xA810;
	s0 =	simm.s32 $0x700;
	s2 =	sadd.s32 $0x0, s31  }
.LBB2_54:
0x14f: {  	[tilespmem:s1], [sflag:$0x2] =	stream.strided.gather [hbm4b:s2+s10], $0x380, s12, s10, $0x38;
	[tilespmem:$0x15010] =	vst v63  }
0x150: {  	s2 =	smov.u32 s0;
	s1 =	smov.u32 s3;
	p0 =	sne.s32 s0, $0x14900  }
.Ltmp26:
0x151: {  	s0 =	sadd.s32 $0x700, s0;
	(pc) =	sbr.rel @p0 .LBB2_54-.Ltmp26, $2  }
0x152: {  	_ =	sdelay $0x2  }
0x153: {  	s3 =	sadd.s32 $0x380, s3;
	s2 =	sadd.s32 s2, s31  }
0x154: {  	[tilespmem:s1], [sflag:$0x2] =	stream.strided.gather [hbm4b:s2+s10], $0x380, s12, s10, $0x38;
	[tilespmem:$0x15010] =	vst v63  }
0x155: {  	_ =	swait.ge [sflag:s26], $0xA800  }
0x156: {  	s1 =	simm.s32 $0xA810;
	s0 =	simm.s32 $0x700;
	[sflag:s26] =	ssyncset.done $0x0  }
0x157: {  	s2 =	sadd.s32 $0x0, s22;
	s3 =	simm.s32 $0xAB90;
	[sflag:s26] =	ssyncadd.s32 $0xFFFF5800  }
.LBB2_56:
0x158: {  	[hbm4b:s2+s10] =	stream.strided.scatter [tilespmem:s1], [sflag:$0x4], $0x380, s12, s10, $0x38;
	[tilespmem:$0x15010] =	vst v63  }
0x159: {  	s2 =	smov.u32 s0;
	s1 =	smov.u32 s3;
	p0 =	sne.s32 s0, $0x14900  }
.Ltmp27:
0x15a: {  	s0 =	sadd.s32 $0x700, s0;
	(pc) =	sbr.rel @p0 .LBB2_56-.Ltmp27, $2  }
0x15b: {  	_ =	sdelay $0x2  }
0x15c: {  	s3 =	sadd.s32 $0x380, s3;
	s2 =	sadd.s32 s2, s22  }
0x15d: {  	[hbm4b:s2+s10] =	stream.strided.scatter [tilespmem:s1], [sflag:$0x4], $0x380, s12, s10, $0x38;
	[tilespmem:$0x15010] =	vst v63  }
0x15e: {  	_ =	swait.ge [sflag:s28], $0xA800  }
0x15f: {  	[sflag:s28] =	ssyncset.done $0x0  }
0x160: {  	[sflag:s28] =	ssyncadd.s32 $0xFFFF5800  }
0x161: {  	_ =	swait.ge [sflag:s29], $0xA800  }
0x162: {  	(v2sf) =	vpush v0, $0xE;
	_ =	sdelay $0xe  }
0x163: {  	s0 =	spop (v2sf)  }
0x164: {  	s0 =	smul.u32 $0xA8000, s0;
	_ =	sdelay $0x1  }
0x165: {  	s1 =	simm.s32 $0x10;
	s0 =	sshrl.u32 s0, $0x3  }
0x166: {  	s3 =	simm.s32 $0x390;
	[sflag:s29] =	ssyncset.done $0x0;
	s31 =	sadd.s32 s0, s4  }
0x167: {  	[sflag:s29] =	ssyncadd.s32 $0xFFFF5800;
	s0 =	simm.s32 $0x700;
	s2 =	sadd.s32 $0x0, s31  }
.LBB2_58:
0x168: {  	[tilespmem:s1], [sflag:$0x1] =	stream.strided.gather [hbm4b:s2+s10], $0x380, s12, s10, $0x38;
	[tilespmem:$0x15010] =	vst v63  }
0x169: {  	s2 =	smov.u32 s0;
	s1 =	smov.u32 s3;
	p0 =	sne.s32 s0, $0x14900  }
.Ltmp28:
0x16a: {  	s0 =	sadd.s32 $0x700, s0;
	(pc) =	sbr.rel @p0 .LBB2_58-.Ltmp28, $2  }
0x16b: {  	_ =	sdelay $0x2  }
0x16c: {  	s3 =	sadd.s32 $0x380, s3;
	s2 =	sadd.s32 s2, s31  }
0x16d: {  	[tilespmem:s1], [sflag:$0x1] =	stream.strided.gather [hbm4b:s2+s10], $0x380, s12, s10, $0x38;
	[tilespmem:$0x15010] =	vst v63  }
0x16e: {  	_ =	swait.ge [sflag:s25], $0xA800  }
0x16f: {  	s31 =	simm.s32 $0x10;
	s0 =	simm.s32 $0x700;
	[sflag:s25] =	ssyncset.done $0x0  }
0x170: {  	s3 =	sadd.s32 $0x0, s23;
	s1 =	simm.s32 $0x390;
	[sflag:s25] =	ssyncadd.s32 $0xFFFF5800  }
.LBB2_60:
0x171: {  	[hbm4b:s3+s10] =	stream.strided.scatter [tilespmem:s31], [sflag:$0x3], $0x380, s12, s10, $0x38;
	[tilespmem:$0x15010] =	vst v63  }
0x172: {  	s2 =	smov.u32 s0;
	s31 =	smov.u32 s1;
	p0 =	sne.s32 s0, $0x14900  }
.Ltmp29:
0x173: {  	s0 =	sadd.s32 $0x700, s0;
	(pc) =	sbr.rel @p0 .LBB2_60-.Ltmp29, $2  }
0x174: {  	_ =	sdelay $0x2  }
0x175: {  	s1 =	sadd.s32 $0x380, s1;
	s3 =	sadd.s32 s2, s23  }
0x176: {  	(v2sf) =	vpush v0, $0xF;
	_ =	sdelay $0xe  }
0x177: {  	s0 =	spop (v2sf)  }
0x178: {  	s0 =	smul.u32 $0xA8000, s0  }
0x179: {  	[hbm4b:s3+s10] =	stream.strided.scatter [tilespmem:s31], [sflag:$0x3], $0x380, s12, s10, $0x38;
	[tilespmem:$0x15010] =	vst v63  }
0x17a: {  	s0 =	sshrl.u32 s0, $0x3  }
0x17b: {  	s1 =	simm.s32 $0xA810;
	s31 =	sadd.s32 s0, s6  }
0x17c: {  	s3 =	simm.s32 $0xAB90;
	s0 =	simm.s32 $0x700;
	s2 =	sadd.s32 $0x0, s31  }
.LBB2_62:
0x17d: {  	[tilespmem:s1], [sflag:$0x2] =	stream.strided.gather [hbm4b:s2+s10], $0x380, s12, s10, $0x38;
	[tilespmem:$0x15010] =	vst v63  }
0x17e: {  	s2 =	smov.u32 s0;
	s1 =	smov.u32 s3;
	p0 =	sne.s32 s0, $0x14900  }
.Ltmp30:
0x17f: {  	s0 =	sadd.s32 $0x700, s0;
	(pc) =	sbr.rel @p0 .LBB2_62-.Ltmp30, $2  }
0x180: {  	_ =	sdelay $0x2  }
0x181: {  	s3 =	sadd.s32 $0x380, s3;
	s2 =	sadd.s32 s2, s31  }
0x182: {  	[tilespmem:s1], [sflag:$0x2] =	stream.strided.gather [hbm4b:s2+s10], $0x380, s12, s10, $0x38;
	[tilespmem:$0x15010] =	vst v63  }
0x183: {  	_ =	swait.ge [sflag:s26], $0xA800  }
0x184: {  	s1 =	simm.s32 $0xA810;
	s0 =	simm.s32 $0x700;
	[sflag:s26] =	ssyncset.done $0x0  }
0x185: {  	s2 =	sadd.s32 $0x0, s24;
	s3 =	simm.s32 $0xAB90;
	[sflag:s26] =	ssyncadd.s32 $0xFFFF5800  }
.LBB2_64:
0x186: {  	[hbm4b:s2+s10] =	stream.strided.scatter [tilespmem:s1], [sflag:$0x4], $0x380, s12, s10, $0x38;
	[tilespmem:$0x15010] =	vst v63  }
0x187: {  	s2 =	smov.u32 s0;
	s1 =	smov.u32 s3;
	p0 =	sne.s32 s0, $0x14900  }
.Ltmp31:
0x188: {  	s0 =	sadd.s32 $0x700, s0;
	(pc) =	sbr.rel @p0 .LBB2_64-.Ltmp31, $2  }
0x189: {  	_ =	sdelay $0x2  }
0x18a: {  	s3 =	sadd.s32 $0x380, s3;
	s2 =	sadd.s32 s2, s24  }
0x18b: {  	[hbm4b:s2+s10] =	stream.strided.scatter [tilespmem:s1], [sflag:$0x4], $0x380, s12, s10, $0x38;
	[tilespmem:$0x15010] =	vst v63  }
0x18c: {  	_ =	swait.ge [sflag:s28], $0xA800  }
0x18d: {  	[sflag:s28] =	ssyncset.done $0x0  }
0x18e: {  	[sflag:s28] =	ssyncadd.s32 $0xFFFF5800  }
0x18f: {  	_ =	swait.ge [sflag:s29], $0xA800  }
0x190: {  	s30 =	sadd.s32 $0x1, s30;
	s0 =	rddreg [dreg:$0x8]  }
0x191: {  	p0 =	sne.s32 s30, s0  }
.Ltmp32:
0x192: {  	_ = 	snop;
	(pc) =	sbr.rel @p0 .LBB2_1-.Ltmp32, $3  }
0x193: {  	_ =	sdelay $0x1  }
0x194: {  	[sflag:s29] =	ssyncset.done $0x0  }
0x195: {  	[sflag:s29] =	ssyncadd.s32 $0xFFFF5800  }
0x196: {  	_ =	sfence.sel $0x180000  }
0x197: {  	[bflag:$0x0] =	sbarrier.arrive $0xFFFF  }
0x198: {  	_ =	strace $0x90000047  }
0x199: {  	s0 =	stileid.u32;
	[bflag:$0x2] =	sbarrier.arrive $0xFFFF  }
0x19a: {  	p0 =	sne.s32 s0, $0x0;
	s0 =	rddreg [dreg:$0x2]  }
0x19b: {  	s0 =	sadd.s32 @!p0 $0x100000, s0  }
0x19c: {  	[sflag:s0] =	ssyncadd.tile.s32 @!p0 $0x1;
	_ =	shalt  }
.Lfunc_end2:
_tile_overlayer_lowered:
.L_overlay_start_2:
0x19d: {  	(tag) =	ssettag $0x2  }
0x19e: {  	s0 =	rddreg [dreg:$0x0];
	s2 =	stileid.u32  }
0x19f: {  	s1 =	rddreg [dreg:$0x1];
	p0 =	sne.s32 s2, $0x0  }
0x1a0: {  	s3 =	rddreg [dreg:$0x2];
	[bflag:$0x3] =	sbarrier.arrive $0xFFFF;
	s2 =	simm.s32 @!p0 $0x1C05  }
0x1a1: {  	[timem:s3], [sflag:s2] =	dma.local @!p0 [hbm:s0], s1  }
0x1a2: {  	s0 =	simm.s32 @!p0 $0x5  }
0x1a3: {  	_ =	swait.ge @!p0 [sflag:s0], s1  }
0x1a4: {  	s1 =	ssub.s32 @!p0 $0x0, s1;
	[sflag:s0] =	ssyncset.done @!p0 $0x0  }
0x1a5: {  	[sflag:s0] =	ssyncadd.s32 @!p0 s1  }
0x1a6: {  	[bflag:$0x3] =	sbarrier.arrive $0xFFFF  }
0x1a7: {  	_ =	shalt  }

</sc_bundles>
